<compile_context>
chip_gen: v7x
topology: tpu7x:2x2x1
jax: 0.10.2.dev20260603
libtpu: 0.0.44.dev20260713+nightly
codegen_flags: <defaults>
</compile_context>

<pallas_src>
import functools

import jax
import jax.numpy as jnp
from jax import lax
from jax.experimental import pallas as pl
from jax.experimental.pallas import tpu as pltpu
from jax.experimental.pallas import tpu_sc as plsc

_B = 16
_P = 4096
_S2 = 256
_ROWS = _B * _P
_BLK = 2048
_GRID = _ROWS // _BLK


_RB = 2


def _rowsum_body(x_ref, o_ref):
    x = x_ref[...]
    for r in range(_RB):
        o_ref[pl.ds(r * _P, _P)] = jnp.sum(x[r], axis=0)


def _patch_counts(xt):
    return pl.pallas_call(
        _rowsum_body,
        grid=(_B // _RB,),
        in_specs=[pl.BlockSpec((_RB, _S2, _P), lambda b: (b, 0, 0))],
        out_specs=pl.BlockSpec((_RB * _P,), lambda b: (b,)),
        out_shape=jax.ShapeDtypeStruct((_ROWS,), jnp.int32),
    )(xt)


_HALF = _P // 2


def _hist_body(counts_hbm, out_hbm, row_v, loc_v, part_v, probs_v, shr):
    cid = lax.axis_index("c")
    sid = lax.axis_index("s")
    row = cid * 8 + lax.rem(sid, 8)
    half = sid // 8

    pltpu.sync_copy(
        counts_hbm.at[pl.ds(row * _P + half * _HALF, _HALF)], row_v
    )

    zeros = jnp.zeros((16,), jnp.int32)
    for i in range(_S2 // 16):
        loc_v[pl.ds(i * 16, 16)] = zeros

    ones = jnp.ones((16,), jnp.int32)

    for j in range(_HALF // 16):
        c = row_v[pl.ds(j * 16, 16)]
        plsc.addupdate_scatter(loc_v, [c], ones, mask=c < _S2)

    @pl.when(half == 1)
    def _():
        pltpu.sync_copy(loc_v, shr.at[sid - 8])

    plsc.subcore_barrier()

    @pl.when(half == 0)
    def _():
        pltpu.sync_copy(shr.at[sid], part_v)
        total = jnp.zeros((16,), jnp.int32)
        accs = []
        for j in range(_S2 // 16):
            acc = loc_v[pl.ds(j * 16, 16)] + part_v[pl.ds(j * 16, 16)]
            total = total + acc
            accs.append(acc)
        t = jnp.sum(total)
        t_vec = lax.broadcast(t, (16,)).astype(jnp.float32)
        for j in range(_S2 // 16):
            probs_v[pl.ds(j * 16, 16)] = accs[j].astype(jnp.float32) / t_vec
        pltpu.sync_copy(probs_v, out_hbm.at[pl.ds(row * _S2, _S2)])


def _histogram_probs(counts):
    mesh = plsc.VectorSubcoreMesh(core_axis_name="c", subcore_axis_name="s")
    kern = functools.partial(
        pl.kernel,
        mesh=mesh,
        compiler_params=pltpu.CompilerParams(needs_layout_passes=False),
        out_type=jax.ShapeDtypeStruct((_B * _S2,), jnp.float32),
        scratch_types=[
            pltpu.VMEM((_HALF,), jnp.int32),
            pltpu.VMEM((_S2,), jnp.int32),
            pltpu.VMEM((_S2,), jnp.int32),
            pltpu.VMEM((_S2,), jnp.float32),
            pltpu.VMEM_SHARED((8, _S2), jnp.int32),
        ],
    )(_hist_body)
    return kern(counts)


def kernel(inputs):
    x = inputs
    xt = x.transpose(0, 1, 2, 4, 5, 3).reshape(_B, _S2, _P)
    counts = _patch_counts(xt)
    probs = _histogram_probs(counts).reshape(_B, _S2)
    return ((probs,),)

# --- scband reference (transcript-rebuilt; emitter-appended) ---
"""Pipeline reference for scband-probability-matrix-31885837205965 (READ-ONLY COPY).

The authoritative reference and input builder live on the scoring server;
editing this copy changes nothing except your own understanding.
"""

import jax, jax.numpy as jnp
import numpy as np


def _process_box(box):
    # box: int32 [B, P, s, s] with binary entries
    B, P, s, _ = box.shape
    maxlength = s * s
    # number of ones for every patch -> [B, P]
    counts = jnp.sum(box, axis=(2, 3)).astype(jnp.int32)
    # tf.math.bincount(..., minlength=1, maxlength=s*s, axis=-1):
    # per-row bincount of length maxlength; values >= maxlength are dropped
    def row_bincount(row):
        return jnp.zeros((maxlength,), jnp.int32).at[row].add(1, mode='drop')
    hist = jax.vmap(row_bincount)(counts)  # [B, maxlength]
    probs = hist.astype(jnp.float32) / jnp.asarray(P, jnp.float32)
    # per-row normalization: row / sum(row)
    probs = probs / jnp.sum(probs, axis=1, keepdims=True)
    return probs


def setup_inputs(seed: int = 0) -> dict:
    key = jax.random.key(seed)
    inputs = jax.random.randint(key, (1, 1, 16, 4096, 16, 16), 0, 2, dtype=jnp.int32)
    return {"inputs": inputs}


def reference(inputs):
    color_distance_outputs = []
    for color_distance_input in inputs:  # iterate axis 0
        box_outputs = []
        for box_input in color_distance_input:  # iterate axis 1 -> [B, P, s, s]
            box_outputs.append(_process_box(box_input))
        color_distance_outputs.append(tuple(box_outputs))
    return tuple(color_distance_outputs)

if __name__ == "__main__":
    import jax
    _d = setup_inputs()
    print(jax.jit(kernel)(*tuple(_d.values())))

</pallas_src>

<mosaic_0001>
#map = affine_map<(d0, d1) -> (0)>
module attributes {stable_mosaic.version = 14 : i64} {
  func.func @_hist_body(%arg0: i32, %arg1: i32, %arg2: memref<65536xi32, #tpu.memory_space<hbm>>, %arg3: memref<4096xf32, #tpu.memory_space<hbm>>, %arg4: memref<2048xi32, #tpu.memory_space<vmem>>, %arg5: memref<256xi32, #tpu.memory_space<vmem>>, %arg6: memref<256xi32, #tpu.memory_space<vmem>>, %arg7: memref<256xf32, #tpu.memory_space<vmem>>, %arg8: memref<8x256xi32, #tpu.memory_space<vmem_shared>>) attributes {dimension_semantics = [#tpu.dimension_semantics<core_parallel>, #tpu.dimension_semantics<subcore_parallel>], iteration_bounds = array<i64: 2, 16>, scalar_prefetch = 0 : i64, scratch_operands = 5 : i64, tpu.core_type = #tpu.core_type<sc_vector_subcore>, window_params = [{transform_indices = #map}, {transform_indices = #map}]} {
    %mul3A = arith.constant 8 : i32
    %mul3A_0 = arith.muli %arg0, %mul3A : i32
    %rem3A = arith.constant 8 : i32
    %rem3A_1 = arith.remsi %arg1, %rem3A : i32
    %add3A = arith.addi %mul3A_0, %rem3A_1 : i32
    %jit3A = arith.constant 8 : i32
    %div3A = arith.divsi %arg1, %jit3A : i32
    %sign3A = arith.constant 0 : i32
    %sign3A_2 = arith.cmpi sgt, %arg1, %sign3A : i32
    %sign3A_3 = arith.extui %sign3A_2 : i1 to i32
    %sign3A_4 = arith.constant 0 : i32
    %sign3A_5 = arith.cmpi slt, %arg1, %sign3A_4 : i32
    %sign3A_6 = arith.extui %sign3A_5 : i1 to i32
    %sign3A_7 = arith.subi %sign3A_3, %sign3A_6 : i32
    %sign3A_8 = arith.constant 0 : i32
    %sign3A_9 = arith.cmpi sgt, %jit3A, %sign3A_8 : i32
    %sign3A_10 = arith.extui %sign3A_9 : i1 to i32
    %sign3A_11 = arith.constant 0 : i32
    %sign3A_12 = arith.cmpi slt, %jit3A, %sign3A_11 : i32
    %sign3A_13 = arith.extui %sign3A_12 : i1 to i32
    %sign3A_14 = arith.subi %sign3A_10, %sign3A_13 : i32
    %ne3A = arith.cmpi ne, %sign3A_7, %sign3A_14 : i32
    %rem3A_15 = arith.remsi %arg1, %jit3A : i32
    %ne3A_16 = arith.constant 0 : i32
    %ne3A_17 = arith.cmpi ne, %rem3A_15, %ne3A_16 : i32
    %and3A = arith.andi %ne3A, %ne3A_17 : i1
    %sub3A = arith.constant 1 : i32
    %sub3A_18 = arith.subi %div3A, %sub3A : i32
    %select_n3A = arith.select %and3A, %sub3A_18, %div3A : i32
    %mul3A_19 = arith.constant 4096 : i32
    %mul3A_20 = arith.muli %add3A, %mul3A_19 : i32
    %mul3A_21 = arith.constant 2048 : i32
    %mul3A_22 = arith.muli %select_n3A, %mul3A_21 : i32
    %add3A_23 = arith.addi %mul3A_20, %mul3A_22 : i32
    "tpu.region"() ({
      %run_scoped3A = tpu.sem_alloc : memref<!tpu.dma_semaphore, #tpu.memory_space<semaphore_mem>>
      %dma_start3A = tpu.memref_slice %arg2[%add3A_23] : memref<65536xi32, #tpu.memory_space<hbm>> -> memref<2048xi32, #tpu.memory_space<hbm>>
      %dma_start3A_703 = tpu.memref_slice %arg2[%add3A_23] : memref<65536xi32, #tpu.memory_space<hbm>> -> memref<2048xi32, #tpu.memory_space<hbm>>
      tpu.enqueue_dma source(%dma_start3A_703 : memref<2048xi32, #tpu.memory_space<hbm>>) target(%arg4 : memref<2048xi32, #tpu.memory_space<vmem>>) target_semaphore(%run_scoped3A : memref<!tpu.dma_semaphore, #tpu.memory_space<semaphore_mem>>)
      %dma_wait3A = tpu.memref_slice %arg2[%add3A_23] : memref<65536xi32, #tpu.memory_space<hbm>> -> memref<2048xi32, #tpu.memory_space<hbm>>
      %dma_wait3A_704 = tpu.memref_slice %arg2[%add3A_23] : memref<65536xi32, #tpu.memory_space<hbm>> -> memref<2048xi32, #tpu.memory_space<hbm>>
      tpu.wait_dma2 semaphore(%run_scoped3A : memref<!tpu.dma_semaphore, #tpu.memory_space<semaphore_mem>>) src(%dma_wait3A_704 : memref<2048xi32, #tpu.memory_space<hbm>>) dst(%arg4 : memref<2048xi32, #tpu.memory_space<vmem>>)
      tpu.yield
    }) : () -> ()
    %broadcast_in_dim3A = arith.constant 0 : i32
    %broadcast_in_dim3A_24 = vector.broadcast %broadcast_in_dim3A : i32 to vector<16xi32>
    %swap3A = arith.constant 0 : index
    %swap3A_25 = tpu.vector_load %arg5[%swap3A] {strides = array<i32>} : memref<256xi32, #tpu.memory_space<vmem>>, vector<16xi32>,
    tpu.vector_store %arg5[%swap3A], %broadcast_in_dim3A_24 {strides = array<i32>} : memref<256xi32, #tpu.memory_space<vmem>>, vector<16xi32>,
    %swap3A_26 = arith.constant 16 : index
    %swap3A_27 = tpu.vector_load %arg5[%swap3A_26] {strides = array<i32>} : memref<256xi32, #tpu.memory_space<vmem>>, vector<16xi32>,
    tpu.vector_store %arg5[%swap3A_26], %broadcast_in_dim3A_24 {strides = array<i32>} : memref<256xi32, #tpu.memory_space<vmem>>, vector<16xi32>,
    %swap3A_28 = arith.constant 32 : index
    %swap3A_29 = tpu.vector_load %arg5[%swap3A_28] {strides = array<i32>} : memref<256xi32, #tpu.memory_space<vmem>>, vector<16xi32>,
    tpu.vector_store %arg5[%swap3A_28], %broadcast_in_dim3A_24 {strides = array<i32>} : memref<256xi32, #tpu.memory_space<vmem>>, vector<16xi32>,
    %swap3A_30 = arith.constant 48 : index
    %swap3A_31 = tpu.vector_load %arg5[%swap3A_30] {strides = array<i32>} : memref<256xi32, #tpu.memory_space<vmem>>, vector<16xi32>,
    tpu.vector_store %arg5[%swap3A_30], %broadcast_in_dim3A_24 {strides = array<i32>} : memref<256xi32, #tpu.memory_space<vmem>>, vector<16xi32>,
    %swap3A_32 = arith.constant 64 : index
    %swap3A_33 = tpu.vector_load %arg5[%swap3A_32] {strides = array<i32>} : memref<256xi32, #tpu.memory_space<vmem>>, vector<16xi32>,
    tpu.vector_store %arg5[%swap3A_32], %broadcast_in_dim3A_24 {strides = array<i32>} : memref<256xi32, #tpu.memory_space<vmem>>, vector<16xi32>,
    %swap3A_34 = arith.constant 80 : index
    %swap3A_35 = tpu.vector_load %arg5[%swap3A_34] {strides = array<i32>} : memref<256xi32, #tpu.memory_space<vmem>>, vector<16xi32>,
    tpu.vector_store %arg5[%swap3A_34], %broadcast_in_dim3A_24 {strides = array<i32>} : memref<256xi32, #tpu.memory_space<vmem>>, vector<16xi32>,
    %swap3A_36 = arith.constant 96 : index
    %swap3A_37 = tpu.vector_load %arg5[%swap3A_36] {strides = array<i32>} : memref<256xi32, #tpu.memory_space<vmem>>, vector<16xi32>,
    tpu.vector_store %arg5[%swap3A_36], %broadcast_in_dim3A_24 {strides = array<i32>} : memref<256xi32, #tpu.memory_space<vmem>>, vector<16xi32>,
    %swap3A_38 = arith.constant 112 : index
    %swap3A_39 = tpu.vector_load %arg5[%swap3A_38] {strides = array<i32>} : memref<256xi32, #tpu.memory_space<vmem>>, vector<16xi32>,
    tpu.vector_store %arg5[%swap3A_38], %broadcast_in_dim3A_24 {strides = array<i32>} : memref<256xi32, #tpu.memory_space<vmem>>, vector<16xi32>,
    %swap3A_40 = arith.constant 128 : index
    %swap3A_41 = tpu.vector_load %arg5[%swap3A_40] {strides = array<i32>} : memref<256xi32, #tpu.memory_space<vmem>>, vector<16xi32>,
    tpu.vector_store %arg5[%swap3A_40], %broadcast_in_dim3A_24 {strides = array<i32>} : memref<256xi32, #tpu.memory_space<vmem>>, vector<16xi32>,
    %swap3A_42 = arith.constant 144 : index
    %swap3A_43 = tpu.vector_load %arg5[%swap3A_42] {strides = array<i32>} : memref<256xi32, #tpu.memory_space<vmem>>, vector<16xi32>,
    tpu.vector_store %arg5[%swap3A_42], %broadcast_in_dim3A_24 {strides = array<i32>} : memref<256xi32, #tpu.memory_space<vmem>>, vector<16xi32>,
    %swap3A_44 = arith.constant 160 : index
    %swap3A_45 = tpu.vector_load %arg5[%swap3A_44] {strides = array<i32>} : memref<256xi32, #tpu.memory_space<vmem>>, vector<16xi32>,
    tpu.vector_store %arg5[%swap3A_44], %broadcast_in_dim3A_24 {strides = array<i32>} : memref<256xi32, #tpu.memory_space<vmem>>, vector<16xi32>,
    %swap3A_46 = arith.constant 176 : index
    %swap3A_47 = tpu.vector_load %arg5[%swap3A_46] {strides = array<i32>} : memref<256xi32, #tpu.memory_space<vmem>>, vector<16xi32>,
    tpu.vector_store %arg5[%swap3A_46], %broadcast_in_dim3A_24 {strides = array<i32>} : memref<256xi32, #tpu.memory_space<vmem>>, vector<16xi32>,
    %swap3A_48 = arith.constant 192 : index
    %swap3A_49 = tpu.vector_load %arg5[%swap3A_48] {strides = array<i32>} : memref<256xi32, #tpu.memory_space<vmem>>, vector<16xi32>,
    tpu.vector_store %arg5[%swap3A_48], %broadcast_in_dim3A_24 {strides = array<i32>} : memref<256xi32, #tpu.memory_space<vmem>>, vector<16xi32>,
    %swap3A_50 = arith.constant 208 : index
    %swap3A_51 = tpu.vector_load %arg5[%swap3A_50] {strides = array<i32>} : memref<256xi32, #tpu.memory_space<vmem>>, vector<16xi32>,
    tpu.vector_store %arg5[%swap3A_50], %broadcast_in_dim3A_24 {strides = array<i32>} : memref<256xi32, #tpu.memory_space<vmem>>, vector<16xi32>,
    %swap3A_52 = arith.constant 224 : index
    %swap3A_53 = tpu.vector_load %arg5[%swap3A_52] {strides = array<i32>} : memref<256xi32, #tpu.memory_space<vmem>>, vector<16xi32>,
    tpu.vector_store %arg5[%swap3A_52], %broadcast_in_dim3A_24 {strides = array<i32>} : memref<256xi32, #tpu.memory_space<vmem>>, vector<16xi32>,
    %swap3A_54 = arith.constant 240 : index
    %swap3A_55 = tpu.vector_load %arg5[%swap3A_54] {strides = array<i32>} : memref<256xi32, #tpu.memory_space<vmem>>, vector<16xi32>,
    tpu.vector_store %arg5[%swap3A_54], %broadcast_in_dim3A_24 {strides = array<i32>} : memref<256xi32, #tpu.memory_space<vmem>>, vector<16xi32>,
    %broadcast_in_dim3A_56 = arith.constant 1 : i32
    %broadcast_in_dim3A_57 = vector.broadcast %broadcast_in_dim3A_56 : i32 to vector<16xi32>
    %get3A = arith.constant 0 : index
    %get3A_58 = tpu.vector_load %arg4[%get3A] {strides = array<i32>} : memref<2048xi32, #tpu.memory_space<vmem>>, vector<16xi32>,
    %lt3A = arith.constant 256 : i32
    %lt3A_59 = vector.broadcast %lt3A : i32 to vector<16xi32>
    %lt3A_60 = arith.cmpi slt, %get3A_58, %lt3A_59 : vector<16xi32>
    tpu.vector_store_idx %arg5[%get3A_58], %broadcast_in_dim3A_57 masked %lt3A_60 {add = true} : memref<256xi32, #tpu.memory_space<vmem>>[vector<16xi32>], vector<16xi32>, vector<16xi1>
    %get3A_61 = arith.constant 16 : index
    %get3A_62 = tpu.vector_load %arg4[%get3A_61] {strides = array<i32>} : memref<2048xi32, #tpu.memory_space<vmem>>, vector<16xi32>,
    %lt3A_63 = arith.constant 256 : i32
    %lt3A_64 = vector.broadcast %lt3A_63 : i32 to vector<16xi32>
    %lt3A_65 = arith.cmpi slt, %get3A_62, %lt3A_64 : vector<16xi32>
    tpu.vector_store_idx %arg5[%get3A_62], %broadcast_in_dim3A_57 masked %lt3A_65 {add = true} : memref<256xi32, #tpu.memory_space<vmem>>[vector<16xi32>], vector<16xi32>, vector<16xi1>
    %get3A_66 = arith.constant 32 : index
    %get3A_67 = tpu.vector_load %arg4[%get3A_66] {strides = array<i32>} : memref<2048xi32, #tpu.memory_space<vmem>>, vector<16xi32>,
    %lt3A_68 = arith.constant 256 : i32
    %lt3A_69 = vector.broadcast %lt3A_68 : i32 to vector<16xi32>
    %lt3A_70 = arith.cmpi slt, %get3A_67, %lt3A_69 : vector<16xi32>
    tpu.vector_store_idx %arg5[%get3A_67], %broadcast_in_dim3A_57 masked %lt3A_70 {add = true} : memref<256xi32, #tpu.memory_space<vmem>>[vector<16xi32>], vector<16xi32>, vector<16xi1>
    %get3A_71 = arith.constant 48 : index
    %get3A_72 = tpu.vector_load %arg4[%get3A_71] {strides = array<i32>} : memref<2048xi32, #tpu.memory_space<vmem>>, vector<16xi32>,
    %lt3A_73 = arith.constant 256 : i32
    %lt3A_74 = vector.broadcast %lt3A_73 : i32 to vector<16xi32>
    %lt3A_75 = arith.cmpi slt, %get3A_72, %lt3A_74 : vector<16xi32>
    tpu.vector_store_idx %arg5[%get3A_72], %broadcast_in_dim3A_57 masked %lt3A_75 {add = true} : memref<256xi32, #tpu.memory_space<vmem>>[vector<16xi32>], vector<16xi32>, vector<16xi1>
    %get3A_76 = arith.constant 64 : index
    %get3A_77 = tpu.vector_load %arg4[%get3A_76] {strides = array<i32>} : memref<2048xi32, #tpu.memory_space<vmem>>, vector<16xi32>,
    %lt3A_78 = arith.constant 256 : i32
    %lt3A_79 = vector.broadcast %lt3A_78 : i32 to vector<16xi32>
    %lt3A_80 = arith.cmpi slt, %get3A_77, %lt3A_79 : vector<16xi32>
    tpu.vector_store_idx %arg5[%get3A_77], %broadcast_in_dim3A_57 masked %lt3A_80 {add = true} : memref<256xi32, #tpu.memory_space<vmem>>[vector<16xi32>], vector<16xi32>, vector<16xi1>
    %get3A_81 = arith.constant 80 : index
    %get3A_82 = tpu.vector_load %arg4[%get3A_81] {strides = array<i32>} : memref<2048xi32, #tpu.memory_space<vmem>>, vector<16xi32>,
    %lt3A_83 = arith.constant 256 : i32
    %lt3A_84 = vector.broadcast %lt3A_83 : i32 to vector<16xi32>
    %lt3A_85 = arith.cmpi slt, %get3A_82, %lt3A_84 : vector<16xi32>
    tpu.vector_store_idx %arg5[%get3A_82], %broadcast_in_dim3A_57 masked %lt3A_85 {add = true} : memref<256xi32, #tpu.memory_space<vmem>>[vector<16xi32>], vector<16xi32>, vector<16xi1>
    %get3A_86 = arith.constant 96 : index
    %get3A_87 = tpu.vector_load %arg4[%get3A_86] {strides = array<i32>} : memref<2048xi32, #tpu.memory_space<vmem>>, vector<16xi32>,
    %lt3A_88 = arith.constant 256 : i32
    %lt3A_89 = vector.broadcast %lt3A_88 : i32 to vector<16xi32>
    %lt3A_90 = arith.cmpi slt, %get3A_87, %lt3A_89 : vector<16xi32>
    tpu.vector_store_idx %arg5[%get3A_87], %broadcast_in_dim3A_57 masked %lt3A_90 {add = true} : memref<256xi32, #tpu.memory_space<vmem>>[vector<16xi32>], vector<16xi32>, vector<16xi1>
    %get3A_91 = arith.constant 112 : index
    %get3A_92 = tpu.vector_load %arg4[%get3A_91] {strides = array<i32>} : memref<2048xi32, #tpu.memory_space<vmem>>, vector<16xi32>,
    %lt3A_93 = arith.constant 256 : i32
    %lt3A_94 = vector.broadcast %lt3A_93 : i32 to vector<16xi32>
    %lt3A_95 = arith.cmpi slt, %get3A_92, %lt3A_94 : vector<16xi32>
    tpu.vector_store_idx %arg5[%get3A_92], %broadcast_in_dim3A_57 masked %lt3A_95 {add = true} : memref<256xi32, #tpu.memory_space<vmem>>[vector<16xi32>], vector<16xi32>, vector<16xi1>
    %get3A_96 = arith.constant 128 : index
    %get3A_97 = tpu.vector_load %arg4[%get3A_96] {strides = array<i32>} : memref<2048xi32, #tpu.memory_space<vmem>>, vector<16xi32>,
    %lt3A_98 = arith.constant 256 : i32
    %lt3A_99 = vector.broadcast %lt3A_98 : i32 to vector<16xi32>
    %lt3A_100 = arith.cmpi slt, %get3A_97, %lt3A_99 : vector<16xi32>
    tpu.vector_store_idx %arg5[%get3A_97], %broadcast_in_dim3A_57 masked %lt3A_100 {add = true} : memref<256xi32, #tpu.memory_space<vmem>>[vector<16xi32>], vector<16xi32>, vector<16xi1>
    %get3A_101 = arith.constant 144 : index
    %get3A_102 = tpu.vector_load %arg4[%get3A_101] {strides = array<i32>} : memref<2048xi32, #tpu.memory_space<vmem>>, vector<16xi32>,
    %lt3A_103 = arith.constant 256 : i32
    %lt3A_104 = vector.broadcast %lt3A_103 : i32 to vector<16xi32>
    %lt3A_105 = arith.cmpi slt, %get3A_102, %lt3A_104 : vector<16xi32>
    tpu.vector_store_idx %arg5[%get3A_102], %broadcast_in_dim3A_57 masked %lt3A_105 {add = true} : memref<256xi32, #tpu.memory_space<vmem>>[vector<16xi32>], vector<16xi32>, vector<16xi1>
    %get3A_106 = arith.constant 160 : index
    %get3A_107 = tpu.vector_load %arg4[%get3A_106] {strides = array<i32>} : memref<2048xi32, #tpu.memory_space<vmem>>, vector<16xi32>,
    %lt3A_108 = arith.constant 256 : i32
    %lt3A_109 = vector.broadcast %lt3A_108 : i32 to vector<16xi32>
    %lt3A_110 = arith.cmpi slt, %get3A_107, %lt3A_109 : vector<16xi32>
    tpu.vector_store_idx %arg5[%get3A_107], %broadcast_in_dim3A_57 masked %lt3A_110 {add = true} : memref<256xi32, #tpu.memory_space<vmem>>[vector<16xi32>], vector<16xi32>, vector<16xi1>
    %get3A_111 = arith.constant 176 : index
    %get3A_112 = tpu.vector_load %arg4[%get3A_111] {strides = array<i32>} : memref<2048xi32, #tpu.memory_space<vmem>>, vector<16xi32>,
    %lt3A_113 = arith.constant 256 : i32
    %lt3A_114 = vector.broadcast %lt3A_113 : i32 to vector<16xi32>
    %lt3A_115 = arith.cmpi slt, %get3A_112, %lt3A_114 : vector<16xi32>
    tpu.vector_store_idx %arg5[%get3A_112], %broadcast_in_dim3A_57 masked %lt3A_115 {add = true} : memref<256xi32, #tpu.memory_space<vmem>>[vector<16xi32>], vector<16xi32>, vector<16xi1>
    %get3A_116 = arith.constant 192 : index
    %get3A_117 = tpu.vector_load %arg4[%get3A_116] {strides = array<i32>} : memref<2048xi32, #tpu.memory_space<vmem>>, vector<16xi32>,
    %lt3A_118 = arith.constant 256 : i32
    %lt3A_119 = vector.broadcast %lt3A_118 : i32 to vector<16xi32>
    %lt3A_120 = arith.cmpi slt, %get3A_117, %lt3A_119 : vector<16xi32>
    tpu.vector_store_idx %arg5[%get3A_117], %broadcast_in_dim3A_57 masked %lt3A_120 {add = true} : memref<256xi32, #tpu.memory_space<vmem>>[vector<16xi32>], vector<16xi32>, vector<16xi1>
    %get3A_121 = arith.constant 208 : index
    %get3A_122 = tpu.vector_load %arg4[%get3A_121] {strides = array<i32>} : memref<2048xi32, #tpu.memory_space<vmem>>, vector<16xi32>,
    %lt3A_123 = arith.constant 256 : i32
    %lt3A_124 = vector.broadcast %lt3A_123 : i32 to vector<16xi32>
    %lt3A_125 = arith.cmpi slt, %get3A_122, %lt3A_124 : vector<16xi32>
    tpu.vector_store_idx %arg5[%get3A_122], %broadcast_in_dim3A_57 masked %lt3A_125 {add = true} : memref<256xi32, #tpu.memory_space<vmem>>[vector<16xi32>], vector<16xi32>, vector<16xi1>
    %get3A_126 = arith.constant 224 : index
    %get3A_127 = tpu.vector_load %arg4[%get3A_126] {strides = array<i32>} : memref<2048xi32, #tpu.memory_space<vmem>>, vector<16xi32>,
    %lt3A_128 = arith.constant 256 : i32
    %lt3A_129 = vector.broadcast %lt3A_128 : i32 to vector<16xi32>
    %lt3A_130 = arith.cmpi slt, %get3A_127, %lt3A_129 : vector<16xi32>
    tpu.vector_store_idx %arg5[%get3A_127], %broadcast_in_dim3A_57 masked %lt3A_130 {add = true} : memref<256xi32, #tpu.memory_space<vmem>>[vector<16xi32>], vector<16xi32>, vector<16xi1>
    %get3A_131 = arith.constant 240 : index
    %get3A_132 = tpu.vector_load %arg4[%get3A_131] {strides = array<i32>} : memref<2048xi32, #tpu.memory_space<vmem>>, vector<16xi32>,
    %lt3A_133 = arith.constant 256 : i32
    %lt3A_134 = vector.broadcast %lt3A_133 : i32 to vector<16xi32>
    %lt3A_135 = arith.cmpi slt, %get3A_132, %lt3A_134 : vector<16xi32>
    tpu.vector_store_idx %arg5[%get3A_132], %broadcast_in_dim3A_57 masked %lt3A_135 {add = true} : memref<256xi32, #tpu.memory_space<vmem>>[vector<16xi32>], vector<16xi32>, vector<16xi1>
    %get3A_136 = arith.constant 256 : index
    %get3A_137 = tpu.vector_load %arg4[%get3A_136] {strides = array<i32>} : memref<2048xi32, #tpu.memory_space<vmem>>, vector<16xi32>,
    %lt3A_138 = arith.constant 256 : i32
    %lt3A_139 = vector.broadcast %lt3A_138 : i32 to vector<16xi32>
    %lt3A_140 = arith.cmpi slt, %get3A_137, %lt3A_139 : vector<16xi32>
    tpu.vector_store_idx %arg5[%get3A_137], %broadcast_in_dim3A_57 masked %lt3A_140 {add = true} : memref<256xi32, #tpu.memory_space<vmem>>[vector<16xi32>], vector<16xi32>, vector<16xi1>
    %get3A_141 = arith.constant 272 : index
    %get3A_142 = tpu.vector_load %arg4[%get3A_141] {strides = array<i32>} : memref<2048xi32, #tpu.memory_space<vmem>>, vector<16xi32>,
    %lt3A_143 = arith.constant 256 : i32
    %lt3A_144 = vector.broadcast %lt3A_143 : i32 to vector<16xi32>
    %lt3A_145 = arith.cmpi slt, %get3A_142, %lt3A_144 : vector<16xi32>
    tpu.vector_store_idx %arg5[%get3A_142], %broadcast_in_dim3A_57 masked %lt3A_145 {add = true} : memref<256xi32, #tpu.memory_space<vmem>>[vector<16xi32>], vector<16xi32>, vector<16xi1>
    %get3A_146 = arith.constant 288 : index
    %get3A_147 = tpu.vector_load %arg4[%get3A_146] {strides = array<i32>} : memref<2048xi32, #tpu.memory_space<vmem>>, vector<16xi32>,
    %lt3A_148 = arith.constant 256 : i32
    %lt3A_149 = vector.broadcast %lt3A_148 : i32 to vector<16xi32>
    %lt3A_150 = arith.cmpi slt, %get3A_147, %lt3A_149 : vector<16xi32>
    tpu.vector_store_idx %arg5[%get3A_147], %broadcast_in_dim3A_57 masked %lt3A_150 {add = true} : memref<256xi32, #tpu.memory_space<vmem>>[vector<16xi32>], vector<16xi32>, vector<16xi1>
    %get3A_151 = arith.constant 304 : index
    %get3A_152 = tpu.vector_load %arg4[%get3A_151] {strides = array<i32>} : memref<2048xi32, #tpu.memory_space<vmem>>, vector<16xi32>,
    %lt3A_153 = arith.constant 256 : i32
    %lt3A_154 = vector.broadcast %lt3A_153 : i32 to vector<16xi32>
    %lt3A_155 = arith.cmpi slt, %get3A_152, %lt3A_154 : vector<16xi32>
    tpu.vector_store_idx %arg5[%get3A_152], %broadcast_in_dim3A_57 masked %lt3A_155 {add = true} : memref<256xi32, #tpu.memory_space<vmem>>[vector<16xi32>], vector<16xi32>, vector<16xi1>
    %get3A_156 = arith.constant 320 : index
    %get3A_157 = tpu.vector_load %arg4[%get3A_156] {strides = array<i32>} : memref<2048xi32, #tpu.memory_space<vmem>>, vector<16xi32>,
    %lt3A_158 = arith.constant 256 : i32
    %lt3A_159 = vector.broadcast %lt3A_158 : i32 to vector<16xi32>
    %lt3A_160 = arith.cmpi slt, %get3A_157, %lt3A_159 : vector<16xi32>
    tpu.vector_store_idx %arg5[%get3A_157], %broadcast_in_dim3A_57 masked %lt3A_160 {add = true} : memref<256xi32, #tpu.memory_space<vmem>>[vector<16xi32>], vector<16xi32>, vector<16xi1>
    %get3A_161 = arith.constant 336 : index
    %get3A_162 = tpu.vector_load %arg4[%get3A_161] {strides = array<i32>} : memref<2048xi32, #tpu.memory_space<vmem>>, vector<16xi32>,
    %lt3A_163 = arith.constant 256 : i32
    %lt3A_164 = vector.broadcast %lt3A_163 : i32 to vector<16xi32>
    %lt3A_165 = arith.cmpi slt, %get3A_162, %lt3A_164 : vector<16xi32>
    tpu.vector_store_idx %arg5[%get3A_162], %broadcast_in_dim3A_57 masked %lt3A_165 {add = true} : memref<256xi32, #tpu.memory_space<vmem>>[vector<16xi32>], vector<16xi32>, vector<16xi1>
    %get3A_166 = arith.constant 352 : index
    %get3A_167 = tpu.vector_load %arg4[%get3A_166] {strides = array<i32>} : memref<2048xi32, #tpu.memory_space<vmem>>, vector<16xi32>,
    %lt3A_168 = arith.constant 256 : i32
    %lt3A_169 = vector.broadcast %lt3A_168 : i32 to vector<16xi32>
    %lt3A_170 = arith.cmpi slt, %get3A_167, %lt3A_169 : vector<16xi32>
    tpu.vector_store_idx %arg5[%get3A_167], %broadcast_in_dim3A_57 masked %lt3A_170 {add = true} : memref<256xi32, #tpu.memory_space<vmem>>[vector<16xi32>], vector<16xi32>, vector<16xi1>
    %get3A_171 = arith.constant 368 : index
    %get3A_172 = tpu.vector_load %arg4[%get3A_171] {strides = array<i32>} : memref<2048xi32, #tpu.memory_space<vmem>>, vector<16xi32>,
    %lt3A_173 = arith.constant 256 : i32
    %lt3A_174 = vector.broadcast %lt3A_173 : i32 to vector<16xi32>
    %lt3A_175 = arith.cmpi slt, %get3A_172, %lt3A_174 : vector<16xi32>
    tpu.vector_store_idx %arg5[%get3A_172], %broadcast_in_dim3A_57 masked %lt3A_175 {add = true} : memref<256xi32, #tpu.memory_space<vmem>>[vector<16xi32>], vector<16xi32>, vector<16xi1>
    %get3A_176 = arith.constant 384 : index
    %get3A_177 = tpu.vector_load %arg4[%get3A_176] {strides = array<i32>} : memref<2048xi32, #tpu.memory_space<vmem>>, vector<16xi32>,
    %lt3A_178 = arith.constant 256 : i32
    %lt3A_179 = vector.broadcast %lt3A_178 : i32 to vector<16xi32>
    %lt3A_180 = arith.cmpi slt, %get3A_177, %lt3A_179 : vector<16xi32>
    tpu.vector_store_idx %arg5[%get3A_177], %broadcast_in_dim3A_57 masked %lt3A_180 {add = true} : memref<256xi32, #tpu.memory_space<vmem>>[vector<16xi32>], vector<16xi32>, vector<16xi1>
    %get3A_181 = arith.constant 400 : index
    %get3A_182 = tpu.vector_load %arg4[%get3A_181] {strides = array<i32>} : memref<2048xi32, #tpu.memory_space<vmem>>, vector<16xi32>,
    %lt3A_183 = arith.constant 256 : i32
    %lt3A_184 = vector.broadcast %lt3A_183 : i32 to vector<16xi32>
    %lt3A_185 = arith.cmpi slt, %get3A_182, %lt3A_184 : vector<16xi32>
    tpu.vector_store_idx %arg5[%get3A_182], %broadcast_in_dim3A_57 masked %lt3A_185 {add = true} : memref<256xi32, #tpu.memory_space<vmem>>[vector<16xi32>], vector<16xi32>, vector<16xi1>
    %get3A_186 = arith.constant 416 : index
    %get3A_187 = tpu.vector_load %arg4[%get3A_186] {strides = array<i32>} : memref<2048xi32, #tpu.memory_space<vmem>>, vector<16xi32>,
    %lt3A_188 = arith.constant 256 : i32
    %lt3A_189 = vector.broadcast %lt3A_188 : i32 to vector<16xi32>
    %lt3A_190 = arith.cmpi slt, %get3A_187, %lt3A_189 : vector<16xi32>
    tpu.vector_store_idx %arg5[%get3A_187], %broadcast_in_dim3A_57 masked %lt3A_190 {add = true} : memref<256xi32, #tpu.memory_space<vmem>>[vector<16xi32>], vector<16xi32>, vector<16xi1>
    %get3A_191 = arith.constant 432 : index
    %get3A_192 = tpu.vector_load %arg4[%get3A_191] {strides = array<i32>} : memref<2048xi32, #tpu.memory_space<vmem>>, vector<16xi32>,
    %lt3A_193 = arith.constant 256 : i32
    %lt3A_194 = vector.broadcast %lt3A_193 : i32 to vector<16xi32>
    %lt3A_195 = arith.cmpi slt, %get3A_192, %lt3A_194 : vector<16xi32>
    tpu.vector_store_idx %arg5[%get3A_192], %broadcast_in_dim3A_57 masked %lt3A_195 {add = true} : memref<256xi32, #tpu.memory_space<vmem>>[vector<16xi32>], vector<16xi32>, vector<16xi1>
    %get3A_196 = arith.constant 448 : index
    %get3A_197 = tpu.vector_load %arg4[%get3A_196] {strides = array<i32>} : memref<2048xi32, #tpu.memory_space<vmem>>, vector<16xi32>,
    %lt3A_198 = arith.constant 256 : i32
    %lt3A_199 = vector.broadcast %lt3A_198 : i32 to vector<16xi32>
    %lt3A_200 = arith.cmpi slt, %get3A_197, %lt3A_199 : vector<16xi32>
    tpu.vector_store_idx %arg5[%get3A_197], %broadcast_in_dim3A_57 masked %lt3A_200 {add = true} : memref<256xi32, #tpu.memory_space<vmem>>[vector<16xi32>], vector<16xi32>, vector<16xi1>
    %get3A_201 = arith.constant 464 : index
    %get3A_202 = tpu.vector_load %arg4[%get3A_201] {strides = array<i32>} : memref<2048xi32, #tpu.memory_space<vmem>>, vector<16xi32>,
    %lt3A_203 = arith.constant 256 : i32
    %lt3A_204 = vector.broadcast %lt3A_203 : i32 to vector<16xi32>
    %lt3A_205 = arith.cmpi slt, %get3A_202, %lt3A_204 : vector<16xi32>
    tpu.vector_store_idx %arg5[%get3A_202], %broadcast_in_dim3A_57 masked %lt3A_205 {add = true} : memref<256xi32, #tpu.memory_space<vmem>>[vector<16xi32>], vector<16xi32>, vector<16xi1>
    %get3A_206 = arith.constant 480 : index
    %get3A_207 = tpu.vector_load %arg4[%get3A_206] {strides = array<i32>} : memref<2048xi32, #tpu.memory_space<vmem>>, vector<16xi32>,
    %lt3A_208 = arith.constant 256 : i32
    %lt3A_209 = vector.broadcast %lt3A_208 : i32 to vector<16xi32>
    %lt3A_210 = arith.cmpi slt, %get3A_207, %lt3A_209 : vector<16xi32>
    tpu.vector_store_idx %arg5[%get3A_207], %broadcast_in_dim3A_57 masked %lt3A_210 {add = true} : memref<256xi32, #tpu.memory_space<vmem>>[vector<16xi32>], vector<16xi32>, vector<16xi1>
    %get3A_211 = arith.constant 496 : index
    %get3A_212 = tpu.vector_load %arg4[%get3A_211] {strides = array<i32>} : memref<2048xi32, #tpu.memory_space<vmem>>, vector<16xi32>,
    %lt3A_213 = arith.constant 256 : i32
    %lt3A_214 = vector.broadcast %lt3A_213 : i32 to vector<16xi32>
    %lt3A_215 = arith.cmpi slt, %get3A_212, %lt3A_214 : vector<16xi32>
    tpu.vector_store_idx %arg5[%get3A_212], %broadcast_in_dim3A_57 masked %lt3A_215 {add = true} : memref<256xi32, #tpu.memory_space<vmem>>[vector<16xi32>], vector<16xi32>, vector<16xi1>
    %get3A_216 = arith.constant 512 : index
    %get3A_217 = tpu.vector_load %arg4[%get3A_216] {strides = array<i32>} : memref<2048xi32, #tpu.memory_space<vmem>>, vector<16xi32>,
    %lt3A_218 = arith.constant 256 : i32
    %lt3A_219 = vector.broadcast %lt3A_218 : i32 to vector<16xi32>
    %lt3A_220 = arith.cmpi slt, %get3A_217, %lt3A_219 : vector<16xi32>
    tpu.vector_store_idx %arg5[%get3A_217], %broadcast_in_dim3A_57 masked %lt3A_220 {add = true} : memref<256xi32, #tpu.memory_space<vmem>>[vector<16xi32>], vector<16xi32>, vector<16xi1>
    %get3A_221 = arith.constant 528 : index
    %get3A_222 = tpu.vector_load %arg4[%get3A_221] {strides = array<i32>} : memref<2048xi32, #tpu.memory_space<vmem>>, vector<16xi32>,
    %lt3A_223 = arith.constant 256 : i32
    %lt3A_224 = vector.broadcast %lt3A_223 : i32 to vector<16xi32>
    %lt3A_225 = arith.cmpi slt, %get3A_222, %lt3A_224 : vector<16xi32>
    tpu.vector_store_idx %arg5[%get3A_222], %broadcast_in_dim3A_57 masked %lt3A_225 {add = true} : memref<256xi32, #tpu.memory_space<vmem>>[vector<16xi32>], vector<16xi32>, vector<16xi1>
    %get3A_226 = arith.constant 544 : index
    %get3A_227 = tpu.vector_load %arg4[%get3A_226] {strides = array<i32>} : memref<2048xi32, #tpu.memory_space<vmem>>, vector<16xi32>,
    %lt3A_228 = arith.constant 256 : i32
    %lt3A_229 = vector.broadcast %lt3A_228 : i32 to vector<16xi32>
    %lt3A_230 = arith.cmpi slt, %get3A_227, %lt3A_229 : vector<16xi32>
    tpu.vector_store_idx %arg5[%get3A_227], %broadcast_in_dim3A_57 masked %lt3A_230 {add = true} : memref<256xi32, #tpu.memory_space<vmem>>[vector<16xi32>], vector<16xi32>, vector<16xi1>
    %get3A_231 = arith.constant 560 : index
    %get3A_232 = tpu.vector_load %arg4[%get3A_231] {strides = array<i32>} : memref<2048xi32, #tpu.memory_space<vmem>>, vector<16xi32>,
    %lt3A_233 = arith.constant 256 : i32
    %lt3A_234 = vector.broadcast %lt3A_233 : i32 to vector<16xi32>
    %lt3A_235 = arith.cmpi slt, %get3A_232, %lt3A_234 : vector<16xi32>
    tpu.vector_store_idx %arg5[%get3A_232], %broadcast_in_dim3A_57 masked %lt3A_235 {add = true} : memref<256xi32, #tpu.memory_space<vmem>>[vector<16xi32>], vector<16xi32>, vector<16xi1>
    %get3A_236 = arith.constant 576 : index
    %get3A_237 = tpu.vector_load %arg4[%get3A_236] {strides = array<i32>} : memref<2048xi32, #tpu.memory_space<vmem>>, vector<16xi32>,
    %lt3A_238 = arith.constant 256 : i32
    %lt3A_239 = vector.broadcast %lt3A_238 : i32 to vector<16xi32>
    %lt3A_240 = arith.cmpi slt, %get3A_237, %lt3A_239 : vector<16xi32>
    tpu.vector_store_idx %arg5[%get3A_237], %broadcast_in_dim3A_57 masked %lt3A_240 {add = true} : memref<256xi32, #tpu.memory_space<vmem>>[vector<16xi32>], vector<16xi32>, vector<16xi1>
    %get3A_241 = arith.constant 592 : index
    %get3A_242 = tpu.vector_load %arg4[%get3A_241] {strides = array<i32>} : memref<2048xi32, #tpu.memory_space<vmem>>, vector<16xi32>,
    %lt3A_243 = arith.constant 256 : i32
    %lt3A_244 = vector.broadcast %lt3A_243 : i32 to vector<16xi32>
    %lt3A_245 = arith.cmpi slt, %get3A_242, %lt3A_244 : vector<16xi32>
    tpu.vector_store_idx %arg5[%get3A_242], %broadcast_in_dim3A_57 masked %lt3A_245 {add = true} : memref<256xi32, #tpu.memory_space<vmem>>[vector<16xi32>], vector<16xi32>, vector<16xi1>
    %get3A_246 = arith.constant 608 : index
    %get3A_247 = tpu.vector_load %arg4[%get3A_246] {strides = array<i32>} : memref<2048xi32, #tpu.memory_space<vmem>>, vector<16xi32>,
    %lt3A_248 = arith.constant 256 : i32
    %lt3A_249 = vector.broadcast %lt3A_248 : i32 to vector<16xi32>
    %lt3A_250 = arith.cmpi slt, %get3A_247, %lt3A_249 : vector<16xi32>
    tpu.vector_store_idx %arg5[%get3A_247], %broadcast_in_dim3A_57 masked %lt3A_250 {add = true} : memref<256xi32, #tpu.memory_space<vmem>>[vector<16xi32>], vector<16xi32>, vector<16xi1>
    %get3A_251 = arith.constant 624 : index
    %get3A_252 = tpu.vector_load %arg4[%get3A_251] {strides = array<i32>} : memref<2048xi32, #tpu.memory_space<vmem>>, vector<16xi32>,
    %lt3A_253 = arith.constant 256 : i32
    %lt3A_254 = vector.broadcast %lt3A_253 : i32 to vector<16xi32>
    %lt3A_255 = arith.cmpi slt, %get3A_252, %lt3A_254 : vector<16xi32>
    tpu.vector_store_idx %arg5[%get3A_252], %broadcast_in_dim3A_57 masked %lt3A_255 {add = true} : memref<256xi32, #tpu.memory_space<vmem>>[vector<16xi32>], vector<16xi32>, vector<16xi1>
    %get3A_256 = arith.constant 640 : index
    %get3A_257 = tpu.vector_load %arg4[%get3A_256] {strides = array<i32>} : memref<2048xi32, #tpu.memory_space<vmem>>, vector<16xi32>,
    %lt3A_258 = arith.constant 256 : i32
    %lt3A_259 = vector.broadcast %lt3A_258 : i32 to vector<16xi32>
    %lt3A_260 = arith.cmpi slt, %get3A_257, %lt3A_259 : vector<16xi32>
    tpu.vector_store_idx %arg5[%get3A_257], %broadcast_in_dim3A_57 masked %lt3A_260 {add = true} : memref<256xi32, #tpu.memory_space<vmem>>[vector<16xi32>], vector<16xi32>, vector<16xi1>
    %get3A_261 = arith.constant 656 : index
    %get3A_262 = tpu.vector_load %arg4[%get3A_261] {strides = array<i32>} : memref<2048xi32, #tpu.memory_space<vmem>>, vector<16xi32>,
    %lt3A_263 = arith.constant 256 : i32
    %lt3A_264 = vector.broadcast %lt3A_263 : i32 to vector<16xi32>
    %lt3A_265 = arith.cmpi slt, %get3A_262, %lt3A_264 : vector<16xi32>
    tpu.vector_store_idx %arg5[%get3A_262], %broadcast_in_dim3A_57 masked %lt3A_265 {add = true} : memref<256xi32, #tpu.memory_space<vmem>>[vector<16xi32>], vector<16xi32>, vector<16xi1>
    %get3A_266 = arith.constant 672 : index
    %get3A_267 = tpu.vector_load %arg4[%get3A_266] {strides = array<i32>} : memref<2048xi32, #tpu.memory_space<vmem>>, vector<16xi32>,
    %lt3A_268 = arith.constant 256 : i32
    %lt3A_269 = vector.broadcast %lt3A_268 : i32 to vector<16xi32>
    %lt3A_270 = arith.cmpi slt, %get3A_267, %lt3A_269 : vector<16xi32>
    tpu.vector_store_idx %arg5[%get3A_267], %broadcast_in_dim3A_57 masked %lt3A_270 {add = true} : memref<256xi32, #tpu.memory_space<vmem>>[vector<16xi32>], vector<16xi32>, vector<16xi1>
    %get3A_271 = arith.constant 688 : index
    %get3A_272 = tpu.vector_load %arg4[%get3A_271] {strides = array<i32>} : memref<2048xi32, #tpu.memory_space<vmem>>, vector<16xi32>,
    %lt3A_273 = arith.constant 256 : i32
    %lt3A_274 = vector.broadcast %lt3A_273 : i32 to vector<16xi32>
    %lt3A_275 = arith.cmpi slt, %get3A_272, %lt3A_274 : vector<16xi32>
    tpu.vector_store_idx %arg5[%get3A_272], %broadcast_in_dim3A_57 masked %lt3A_275 {add = true} : memref<256xi32, #tpu.memory_space<vmem>>[vector<16xi32>], vector<16xi32>, vector<16xi1>
    %get3A_276 = arith.constant 704 : index
    %get3A_277 = tpu.vector_load %arg4[%get3A_276] {strides = array<i32>} : memref<2048xi32, #tpu.memory_space<vmem>>, vector<16xi32>,
    %lt3A_278 = arith.constant 256 : i32
    %lt3A_279 = vector.broadcast %lt3A_278 : i32 to vector<16xi32>
    %lt3A_280 = arith.cmpi slt, %get3A_277, %lt3A_279 : vector<16xi32>
    tpu.vector_store_idx %arg5[%get3A_277], %broadcast_in_dim3A_57 masked %lt3A_280 {add = true} : memref<256xi32, #tpu.memory_space<vmem>>[vector<16xi32>], vector<16xi32>, vector<16xi1>
    %get3A_281 = arith.constant 720 : index
    %get3A_282 = tpu.vector_load %arg4[%get3A_281] {strides = array<i32>} : memref<2048xi32, #tpu.memory_space<vmem>>, vector<16xi32>,
    %lt3A_283 = arith.constant 256 : i32
    %lt3A_284 = vector.broadcast %lt3A_283 : i32 to vector<16xi32>
    %lt3A_285 = arith.cmpi slt, %get3A_282, %lt3A_284 : vector<16xi32>
    tpu.vector_store_idx %arg5[%get3A_282], %broadcast_in_dim3A_57 masked %lt3A_285 {add = true} : memref<256xi32, #tpu.memory_space<vmem>>[vector<16xi32>], vector<16xi32>, vector<16xi1>
    %get3A_286 = arith.constant 736 : index
    %get3A_287 = tpu.vector_load %arg4[%get3A_286] {strides = array<i32>} : memref<2048xi32, #tpu.memory_space<vmem>>, vector<16xi32>,
    %lt3A_288 = arith.constant 256 : i32
    %lt3A_289 = vector.broadcast %lt3A_288 : i32 to vector<16xi32>
    %lt3A_290 = arith.cmpi slt, %get3A_287, %lt3A_289 : vector<16xi32>
    tpu.vector_store_idx %arg5[%get3A_287], %broadcast_in_dim3A_57 masked %lt3A_290 {add = true} : memref<256xi32, #tpu.memory_space<vmem>>[vector<16xi32>], vector<16xi32>, vector<16xi1>
    %get3A_291 = arith.constant 752 : index
    %get3A_292 = tpu.vector_load %arg4[%get3A_291] {strides = array<i32>} : memref<2048xi32, #tpu.memory_space<vmem>>, vector<16xi32>,
    %lt3A_293 = arith.constant 256 : i32
    %lt3A_294 = vector.broadcast %lt3A_293 : i32 to vector<16xi32>
    %lt3A_295 = arith.cmpi slt, %get3A_292, %lt3A_294 : vector<16xi32>
    tpu.vector_store_idx %arg5[%get3A_292], %broadcast_in_dim3A_57 masked %lt3A_295 {add = true} : memref<256xi32, #tpu.memory_space<vmem>>[vector<16xi32>], vector<16xi32>, vector<16xi1>
    %get3A_296 = arith.constant 768 : index
    %get3A_297 = tpu.vector_load %arg4[%get3A_296] {strides = array<i32>} : memref<2048xi32, #tpu.memory_space<vmem>>, vector<16xi32>,
    %lt3A_298 = arith.constant 256 : i32
    %lt3A_299 = vector.broadcast %lt3A_298 : i32 to vector<16xi32>
    %lt3A_300 = arith.cmpi slt, %get3A_297, %lt3A_299 : vector<16xi32>
    tpu.vector_store_idx %arg5[%get3A_297], %broadcast_in_dim3A_57 masked %lt3A_300 {add = true} : memref<256xi32, #tpu.memory_space<vmem>>[vector<16xi32>], vector<16xi32>, vector<16xi1>
    %get3A_301 = arith.constant 784 : index
    %get3A_302 = tpu.vector_load %arg4[%get3A_301] {strides = array<i32>} : memref<2048xi32, #tpu.memory_space<vmem>>, vector<16xi32>,
    %lt3A_303 = arith.constant 256 : i32
    %lt3A_304 = vector.broadcast %lt3A_303 : i32 to vector<16xi32>
    %lt3A_305 = arith.cmpi slt, %get3A_302, %lt3A_304 : vector<16xi32>
    tpu.vector_store_idx %arg5[%get3A_302], %broadcast_in_dim3A_57 masked %lt3A_305 {add = true} : memref<256xi32, #tpu.memory_space<vmem>>[vector<16xi32>], vector<16xi32>, vector<16xi1>
    %get3A_306 = arith.constant 800 : index
    %get3A_307 = tpu.vector_load %arg4[%get3A_306] {strides = array<i32>} : memref<2048xi32, #tpu.memory_space<vmem>>, vector<16xi32>,
    %lt3A_308 = arith.constant 256 : i32
    %lt3A_309 = vector.broadcast %lt3A_308 : i32 to vector<16xi32>
    %lt3A_310 = arith.cmpi slt, %get3A_307, %lt3A_309 : vector<16xi32>
    tpu.vector_store_idx %arg5[%get3A_307], %broadcast_in_dim3A_57 masked %lt3A_310 {add = true} : memref<256xi32, #tpu.memory_space<vmem>>[vector<16xi32>], vector<16xi32>, vector<16xi1>
    %get3A_311 = arith.constant 816 : index
    %get3A_312 = tpu.vector_load %arg4[%get3A_311] {strides = array<i32>} : memref<2048xi32, #tpu.memory_space<vmem>>, vector<16xi32>,
    %lt3A_313 = arith.constant 256 : i32
    %lt3A_314 = vector.broadcast %lt3A_313 : i32 to vector<16xi32>
    %lt3A_315 = arith.cmpi slt, %get3A_312, %lt3A_314 : vector<16xi32>
    tpu.vector_store_idx %arg5[%get3A_312], %broadcast_in_dim3A_57 masked %lt3A_315 {add = true} : memref<256xi32, #tpu.memory_space<vmem>>[vector<16xi32>], vector<16xi32>, vector<16xi1>
    %get3A_316 = arith.constant 832 : index
    %get3A_317 = tpu.vector_load %arg4[%get3A_316] {strides = array<i32>} : memref<2048xi32, #tpu.memory_space<vmem>>, vector<16xi32>,
    %lt3A_318 = arith.constant 256 : i32
    %lt3A_319 = vector.broadcast %lt3A_318 : i32 to vector<16xi32>
    %lt3A_320 = arith.cmpi slt, %get3A_317, %lt3A_319 : vector<16xi32>
    tpu.vector_store_idx %arg5[%get3A_317], %broadcast_in_dim3A_57 masked %lt3A_320 {add = true} : memref<256xi32, #tpu.memory_space<vmem>>[vector<16xi32>], vector<16xi32>, vector<16xi1>
    %get3A_321 = arith.constant 848 : index
    %get3A_322 = tpu.vector_load %arg4[%get3A_321] {strides = array<i32>} : memref<2048xi32, #tpu.memory_space<vmem>>, vector<16xi32>,
    %lt3A_323 = arith.constant 256 : i32
    %lt3A_324 = vector.broadcast %lt3A_323 : i32 to vector<16xi32>
    %lt3A_325 = arith.cmpi slt, %get3A_322, %lt3A_324 : vector<16xi32>
    tpu.vector_store_idx %arg5[%get3A_322], %broadcast_in_dim3A_57 masked %lt3A_325 {add = true} : memref<256xi32, #tpu.memory_space<vmem>>[vector<16xi32>], vector<16xi32>, vector<16xi1>
    %get3A_326 = arith.constant 864 : index
    %get3A_327 = tpu.vector_load %arg4[%get3A_326] {strides = array<i32>} : memref<2048xi32, #tpu.memory_space<vmem>>, vector<16xi32>,
    %lt3A_328 = arith.constant 256 : i32
    %lt3A_329 = vector.broadcast %lt3A_328 : i32 to vector<16xi32>
    %lt3A_330 = arith.cmpi slt, %get3A_327, %lt3A_329 : vector<16xi32>
    tpu.vector_store_idx %arg5[%get3A_327], %broadcast_in_dim3A_57 masked %lt3A_330 {add = true} : memref<256xi32, #tpu.memory_space<vmem>>[vector<16xi32>], vector<16xi32>, vector<16xi1>
    %get3A_331 = arith.constant 880 : index
    %get3A_332 = tpu.vector_load %arg4[%get3A_331] {strides = array<i32>} : memref<2048xi32, #tpu.memory_space<vmem>>, vector<16xi32>,
    %lt3A_333 = arith.constant 256 : i32
    %lt3A_334 = vector.broadcast %lt3A_333 : i32 to vector<16xi32>
    %lt3A_335 = arith.cmpi slt, %get3A_332, %lt3A_334 : vector<16xi32>
    tpu.vector_store_idx %arg5[%get3A_332], %broadcast_in_dim3A_57 masked %lt3A_335 {add = true} : memref<256xi32, #tpu.memory_space<vmem>>[vector<16xi32>], vector<16xi32>, vector<16xi1>
    %get3A_336 = arith.constant 896 : index
    %get3A_337 = tpu.vector_load %arg4[%get3A_336] {strides = array<i32>} : memref<2048xi32, #tpu.memory_space<vmem>>, vector<16xi32>,
    %lt3A_338 = arith.constant 256 : i32
    %lt3A_339 = vector.broadcast %lt3A_338 : i32 to vector<16xi32>
    %lt3A_340 = arith.cmpi slt, %get3A_337, %lt3A_339 : vector<16xi32>
    tpu.vector_store_idx %arg5[%get3A_337], %broadcast_in_dim3A_57 masked %lt3A_340 {add = true} : memref<256xi32, #tpu.memory_space<vmem>>[vector<16xi32>], vector<16xi32>, vector<16xi1>
    %get3A_341 = arith.constant 912 : index
    %get3A_342 = tpu.vector_load %arg4[%get3A_341] {strides = array<i32>} : memref<2048xi32, #tpu.memory_space<vmem>>, vector<16xi32>,
    %lt3A_343 = arith.constant 256 : i32
    %lt3A_344 = vector.broadcast %lt3A_343 : i32 to vector<16xi32>
    %lt3A_345 = arith.cmpi slt, %get3A_342, %lt3A_344 : vector<16xi32>
    tpu.vector_store_idx %arg5[%get3A_342], %broadcast_in_dim3A_57 masked %lt3A_345 {add = true} : memref<256xi32, #tpu.memory_space<vmem>>[vector<16xi32>], vector<16xi32>, vector<16xi1>
    %get3A_346 = arith.constant 928 : index
    %get3A_347 = tpu.vector_load %arg4[%get3A_346] {strides = array<i32>} : memref<2048xi32, #tpu.memory_space<vmem>>, vector<16xi32>,
    %lt3A_348 = arith.constant 256 : i32
    %lt3A_349 = vector.broadcast %lt3A_348 : i32 to vector<16xi32>
    %lt3A_350 = arith.cmpi slt, %get3A_347, %lt3A_349 : vector<16xi32>
    tpu.vector_store_idx %arg5[%get3A_347], %broadcast_in_dim3A_57 masked %lt3A_350 {add = true} : memref<256xi32, #tpu.memory_space<vmem>>[vector<16xi32>], vector<16xi32>, vector<16xi1>
    %get3A_351 = arith.constant 944 : index
    %get3A_352 = tpu.vector_load %arg4[%get3A_351] {strides = array<i32>} : memref<2048xi32, #tpu.memory_space<vmem>>, vector<16xi32>,
    %lt3A_353 = arith.constant 256 : i32
    %lt3A_354 = vector.broadcast %lt3A_353 : i32 to vector<16xi32>
    %lt3A_355 = arith.cmpi slt, %get3A_352, %lt3A_354 : vector<16xi32>
    tpu.vector_store_idx %arg5[%get3A_352], %broadcast_in_dim3A_57 masked %lt3A_355 {add = true} : memref<256xi32, #tpu.memory_space<vmem>>[vector<16xi32>], vector<16xi32>, vector<16xi1>
    %get3A_356 = arith.constant 960 : index
    %get3A_357 = tpu.vector_load %arg4[%get3A_356] {strides = array<i32>} : memref<2048xi32, #tpu.memory_space<vmem>>, vector<16xi32>,
    %lt3A_358 = arith.constant 256 : i32
    %lt3A_359 = vector.broadcast %lt3A_358 : i32 to vector<16xi32>
    %lt3A_360 = arith.cmpi slt, %get3A_357, %lt3A_359 : vector<16xi32>
    tpu.vector_store_idx %arg5[%get3A_357], %broadcast_in_dim3A_57 masked %lt3A_360 {add = true} : memref<256xi32, #tpu.memory_space<vmem>>[vector<16xi32>], vector<16xi32>, vector<16xi1>
    %get3A_361 = arith.constant 976 : index
    %get3A_362 = tpu.vector_load %arg4[%get3A_361] {strides = array<i32>} : memref<2048xi32, #tpu.memory_space<vmem>>, vector<16xi32>,
    %lt3A_363 = arith.constant 256 : i32
    %lt3A_364 = vector.broadcast %lt3A_363 : i32 to vector<16xi32>
    %lt3A_365 = arith.cmpi slt, %get3A_362, %lt3A_364 : vector<16xi32>
    tpu.vector_store_idx %arg5[%get3A_362], %broadcast_in_dim3A_57 masked %lt3A_365 {add = true} : memref<256xi32, #tpu.memory_space<vmem>>[vector<16xi32>], vector<16xi32>, vector<16xi1>
    %get3A_366 = arith.constant 992 : index
    %get3A_367 = tpu.vector_load %arg4[%get3A_366] {strides = array<i32>} : memref<2048xi32, #tpu.memory_space<vmem>>, vector<16xi32>,
    %lt3A_368 = arith.constant 256 : i32
    %lt3A_369 = vector.broadcast %lt3A_368 : i32 to vector<16xi32>
    %lt3A_370 = arith.cmpi slt, %get3A_367, %lt3A_369 : vector<16xi32>
    tpu.vector_store_idx %arg5[%get3A_367], %broadcast_in_dim3A_57 masked %lt3A_370 {add = true} : memref<256xi32, #tpu.memory_space<vmem>>[vector<16xi32>], vector<16xi32>, vector<16xi1>
    %get3A_371 = arith.constant 1008 : index
    %get3A_372 = tpu.vector_load %arg4[%get3A_371] {strides = array<i32>} : memref<2048xi32, #tpu.memory_space<vmem>>, vector<16xi32>,
    %lt3A_373 = arith.constant 256 : i32
    %lt3A_374 = vector.broadcast %lt3A_373 : i32 to vector<16xi32>
    %lt3A_375 = arith.cmpi slt, %get3A_372, %lt3A_374 : vector<16xi32>
    tpu.vector_store_idx %arg5[%get3A_372], %broadcast_in_dim3A_57 masked %lt3A_375 {add = true} : memref<256xi32, #tpu.memory_space<vmem>>[vector<16xi32>], vector<16xi32>, vector<16xi1>
    %get3A_376 = arith.constant 1024 : index
    %get3A_377 = tpu.vector_load %arg4[%get3A_376] {strides = array<i32>} : memref<2048xi32, #tpu.memory_space<vmem>>, vector<16xi32>,
    %lt3A_378 = arith.constant 256 : i32
    %lt3A_379 = vector.broadcast %lt3A_378 : i32 to vector<16xi32>
    %lt3A_380 = arith.cmpi slt, %get3A_377, %lt3A_379 : vector<16xi32>
    tpu.vector_store_idx %arg5[%get3A_377], %broadcast_in_dim3A_57 masked %lt3A_380 {add = true} : memref<256xi32, #tpu.memory_space<vmem>>[vector<16xi32>], vector<16xi32>, vector<16xi1>
    %get3A_381 = arith.constant 1040 : index
    %get3A_382 = tpu.vector_load %arg4[%get3A_381] {strides = array<i32>} : memref<2048xi32, #tpu.memory_space<vmem>>, vector<16xi32>,
    %lt3A_383 = arith.constant 256 : i32
    %lt3A_384 = vector.broadcast %lt3A_383 : i32 to vector<16xi32>
    %lt3A_385 = arith.cmpi slt, %get3A_382, %lt3A_384 : vector<16xi32>
    tpu.vector_store_idx %arg5[%get3A_382], %broadcast_in_dim3A_57 masked %lt3A_385 {add = true} : memref<256xi32, #tpu.memory_space<vmem>>[vector<16xi32>], vector<16xi32>, vector<16xi1>
    %get3A_386 = arith.constant 1056 : index
    %get3A_387 = tpu.vector_load %arg4[%get3A_386] {strides = array<i32>} : memref<2048xi32, #tpu.memory_space<vmem>>, vector<16xi32>,
    %lt3A_388 = arith.constant 256 : i32
    %lt3A_389 = vector.broadcast %lt3A_388 : i32 to vector<16xi32>
    %lt3A_390 = arith.cmpi slt, %get3A_387, %lt3A_389 : vector<16xi32>
    tpu.vector_store_idx %arg5[%get3A_387], %broadcast_in_dim3A_57 masked %lt3A_390 {add = true} : memref<256xi32, #tpu.memory_space<vmem>>[vector<16xi32>], vector<16xi32>, vector<16xi1>
    %get3A_391 = arith.constant 1072 : index
    %get3A_392 = tpu.vector_load %arg4[%get3A_391] {strides = array<i32>} : memref<2048xi32, #tpu.memory_space<vmem>>, vector<16xi32>,
    %lt3A_393 = arith.constant 256 : i32
    %lt3A_394 = vector.broadcast %lt3A_393 : i32 to vector<16xi32>
    %lt3A_395 = arith.cmpi slt, %get3A_392, %lt3A_394 : vector<16xi32>
    tpu.vector_store_idx %arg5[%get3A_392], %broadcast_in_dim3A_57 masked %lt3A_395 {add = true} : memref<256xi32, #tpu.memory_space<vmem>>[vector<16xi32>], vector<16xi32>, vector<16xi1>
    %get3A_396 = arith.constant 1088 : index
    %get3A_397 = tpu.vector_load %arg4[%get3A_396] {strides = array<i32>} : memref<2048xi32, #tpu.memory_space<vmem>>, vector<16xi32>,
    %lt3A_398 = arith.constant 256 : i32
    %lt3A_399 = vector.broadcast %lt3A_398 : i32 to vector<16xi32>
    %lt3A_400 = arith.cmpi slt, %get3A_397, %lt3A_399 : vector<16xi32>
    tpu.vector_store_idx %arg5[%get3A_397], %broadcast_in_dim3A_57 masked %lt3A_400 {add = true} : memref<256xi32, #tpu.memory_space<vmem>>[vector<16xi32>], vector<16xi32>, vector<16xi1>
    %get3A_401 = arith.constant 1104 : index
    %get3A_402 = tpu.vector_load %arg4[%get3A_401] {strides = array<i32>} : memref<2048xi32, #tpu.memory_space<vmem>>, vector<16xi32>,
    %lt3A_403 = arith.constant 256 : i32
    %lt3A_404 = vector.broadcast %lt3A_403 : i32 to vector<16xi32>
    %lt3A_405 = arith.cmpi slt, %get3A_402, %lt3A_404 : vector<16xi32>
    tpu.vector_store_idx %arg5[%get3A_402], %broadcast_in_dim3A_57 masked %lt3A_405 {add = true} : memref<256xi32, #tpu.memory_space<vmem>>[vector<16xi32>], vector<16xi32>, vector<16xi1>
    %get3A_406 = arith.constant 1120 : index
    %get3A_407 = tpu.vector_load %arg4[%get3A_406] {strides = array<i32>} : memref<2048xi32, #tpu.memory_space<vmem>>, vector<16xi32>,
    %lt3A_408 = arith.constant 256 : i32
    %lt3A_409 = vector.broadcast %lt3A_408 : i32 to vector<16xi32>
    %lt3A_410 = arith.cmpi slt, %get3A_407, %lt3A_409 : vector<16xi32>
    tpu.vector_store_idx %arg5[%get3A_407], %broadcast_in_dim3A_57 masked %lt3A_410 {add = true} : memref<256xi32, #tpu.memory_space<vmem>>[vector<16xi32>], vector<16xi32>, vector<16xi1>
    %get3A_411 = arith.constant 1136 : index
    %get3A_412 = tpu.vector_load %arg4[%get3A_411] {strides = array<i32>} : memref<2048xi32, #tpu.memory_space<vmem>>, vector<16xi32>,
    %lt3A_413 = arith.constant 256 : i32
    %lt3A_414 = vector.broadcast %lt3A_413 : i32 to vector<16xi32>
    %lt3A_415 = arith.cmpi slt, %get3A_412, %lt3A_414 : vector<16xi32>
    tpu.vector_store_idx %arg5[%get3A_412], %broadcast_in_dim3A_57 masked %lt3A_415 {add = true} : memref<256xi32, #tpu.memory_space<vmem>>[vector<16xi32>], vector<16xi32>, vector<16xi1>
    %get3A_416 = arith.constant 1152 : index
    %get3A_417 = tpu.vector_load %arg4[%get3A_416] {strides = array<i32>} : memref<2048xi32, #tpu.memory_space<vmem>>, vector<16xi32>,
    %lt3A_418 = arith.constant 256 : i32
    %lt3A_419 = vector.broadcast %lt3A_418 : i32 to vector<16xi32>
    %lt3A_420 = arith.cmpi slt, %get3A_417, %lt3A_419 : vector<16xi32>
    tpu.vector_store_idx %arg5[%get3A_417], %broadcast_in_dim3A_57 masked %lt3A_420 {add = true} : memref<256xi32, #tpu.memory_space<vmem>>[vector<16xi32>], vector<16xi32>, vector<16xi1>
    %get3A_421 = arith.constant 1168 : index
    %get3A_422 = tpu.vector_load %arg4[%get3A_421] {strides = array<i32>} : memref<2048xi32, #tpu.memory_space<vmem>>, vector<16xi32>,
    %lt3A_423 = arith.constant 256 : i32
    %lt3A_424 = vector.broadcast %lt3A_423 : i32 to vector<16xi32>
    %lt3A_425 = arith.cmpi slt, %get3A_422, %lt3A_424 : vector<16xi32>
    tpu.vector_store_idx %arg5[%get3A_422], %broadcast_in_dim3A_57 masked %lt3A_425 {add = true} : memref<256xi32, #tpu.memory_space<vmem>>[vector<16xi32>], vector<16xi32>, vector<16xi1>
    %get3A_426 = arith.constant 1184 : index
    %get3A_427 = tpu.vector_load %arg4[%get3A_426] {strides = array<i32>} : memref<2048xi32, #tpu.memory_space<vmem>>, vector<16xi32>,
    %lt3A_428 = arith.constant 256 : i32
    %lt3A_429 = vector.broadcast %lt3A_428 : i32 to vector<16xi32>
    %lt3A_430 = arith.cmpi slt, %get3A_427, %lt3A_429 : vector<16xi32>
    tpu.vector_store_idx %arg5[%get3A_427], %broadcast_in_dim3A_57 masked %lt3A_430 {add = true} : memref<256xi32, #tpu.memory_space<vmem>>[vector<16xi32>], vector<16xi32>, vector<16xi1>
    %get3A_431 = arith.constant 1200 : index
    %get3A_432 = tpu.vector_load %arg4[%get3A_431] {strides = array<i32>} : memref<2048xi32, #tpu.memory_space<vmem>>, vector<16xi32>,
    %lt3A_433 = arith.constant 256 : i32
    %lt3A_434 = vector.broadcast %lt3A_433 : i32 to vector<16xi32>
    %lt3A_435 = arith.cmpi slt, %get3A_432, %lt3A_434 : vector<16xi32>
    tpu.vector_store_idx %arg5[%get3A_432], %broadcast_in_dim3A_57 masked %lt3A_435 {add = true} : memref<256xi32, #tpu.memory_space<vmem>>[vector<16xi32>], vector<16xi32>, vector<16xi1>
    %get3A_436 = arith.constant 1216 : index
    %get3A_437 = tpu.vector_load %arg4[%get3A_436] {strides = array<i32>} : memref<2048xi32, #tpu.memory_space<vmem>>, vector<16xi32>,
    %lt3A_438 = arith.constant 256 : i32
    %lt3A_439 = vector.broadcast %lt3A_438 : i32 to vector<16xi32>
    %lt3A_440 = arith.cmpi slt, %get3A_437, %lt3A_439 : vector<16xi32>
    tpu.vector_store_idx %arg5[%get3A_437], %broadcast_in_dim3A_57 masked %lt3A_440 {add = true} : memref<256xi32, #tpu.memory_space<vmem>>[vector<16xi32>], vector<16xi32>, vector<16xi1>
    %get3A_441 = arith.constant 1232 : index
    %get3A_442 = tpu.vector_load %arg4[%get3A_441] {strides = array<i32>} : memref<2048xi32, #tpu.memory_space<vmem>>, vector<16xi32>,
    %lt3A_443 = arith.constant 256 : i32
    %lt3A_444 = vector.broadcast %lt3A_443 : i32 to vector<16xi32>
    %lt3A_445 = arith.cmpi slt, %get3A_442, %lt3A_444 : vector<16xi32>
    tpu.vector_store_idx %arg5[%get3A_442], %broadcast_in_dim3A_57 masked %lt3A_445 {add = true} : memref<256xi32, #tpu.memory_space<vmem>>[vector<16xi32>], vector<16xi32>, vector<16xi1>
    %get3A_446 = arith.constant 1248 : index
    %get3A_447 = tpu.vector_load %arg4[%get3A_446] {strides = array<i32>} : memref<2048xi32, #tpu.memory_space<vmem>>, vector<16xi32>,
    %lt3A_448 = arith.constant 256 : i32
    %lt3A_449 = vector.broadcast %lt3A_448 : i32 to vector<16xi32>
    %lt3A_450 = arith.cmpi slt, %get3A_447, %lt3A_449 : vector<16xi32>
    tpu.vector_store_idx %arg5[%get3A_447], %broadcast_in_dim3A_57 masked %lt3A_450 {add = true} : memref<256xi32, #tpu.memory_space<vmem>>[vector<16xi32>], vector<16xi32>, vector<16xi1>
    %get3A_451 = arith.constant 1264 : index
    %get3A_452 = tpu.vector_load %arg4[%get3A_451] {strides = array<i32>} : memref<2048xi32, #tpu.memory_space<vmem>>, vector<16xi32>,
    %lt3A_453 = arith.constant 256 : i32
    %lt3A_454 = vector.broadcast %lt3A_453 : i32 to vector<16xi32>
    %lt3A_455 = arith.cmpi slt, %get3A_452, %lt3A_454 : vector<16xi32>
    tpu.vector_store_idx %arg5[%get3A_452], %broadcast_in_dim3A_57 masked %lt3A_455 {add = true} : memref<256xi32, #tpu.memory_space<vmem>>[vector<16xi32>], vector<16xi32>, vector<16xi1>
    %get3A_456 = arith.constant 1280 : index
    %get3A_457 = tpu.vector_load %arg4[%get3A_456] {strides = array<i32>} : memref<2048xi32, #tpu.memory_space<vmem>>, vector<16xi32>,
    %lt3A_458 = arith.constant 256 : i32
    %lt3A_459 = vector.broadcast %lt3A_458 : i32 to vector<16xi32>
    %lt3A_460 = arith.cmpi slt, %get3A_457, %lt3A_459 : vector<16xi32>
    tpu.vector_store_idx %arg5[%get3A_457], %broadcast_in_dim3A_57 masked %lt3A_460 {add = true} : memref<256xi32, #tpu.memory_space<vmem>>[vector<16xi32>], vector<16xi32>, vector<16xi1>
    %get3A_461 = arith.constant 1296 : index
    %get3A_462 = tpu.vector_load %arg4[%get3A_461] {strides = array<i32>} : memref<2048xi32, #tpu.memory_space<vmem>>, vector<16xi32>,
    %lt3A_463 = arith.constant 256 : i32
    %lt3A_464 = vector.broadcast %lt3A_463 : i32 to vector<16xi32>
    %lt3A_465 = arith.cmpi slt, %get3A_462, %lt3A_464 : vector<16xi32>
    tpu.vector_store_idx %arg5[%get3A_462], %broadcast_in_dim3A_57 masked %lt3A_465 {add = true} : memref<256xi32, #tpu.memory_space<vmem>>[vector<16xi32>], vector<16xi32>, vector<16xi1>
    %get3A_466 = arith.constant 1312 : index
    %get3A_467 = tpu.vector_load %arg4[%get3A_466] {strides = array<i32>} : memref<2048xi32, #tpu.memory_space<vmem>>, vector<16xi32>,
    %lt3A_468 = arith.constant 256 : i32
    %lt3A_469 = vector.broadcast %lt3A_468 : i32 to vector<16xi32>
    %lt3A_470 = arith.cmpi slt, %get3A_467, %lt3A_469 : vector<16xi32>
    tpu.vector_store_idx %arg5[%get3A_467], %broadcast_in_dim3A_57 masked %lt3A_470 {add = true} : memref<256xi32, #tpu.memory_space<vmem>>[vector<16xi32>], vector<16xi32>, vector<16xi1>
    %get3A_471 = arith.constant 1328 : index
    %get3A_472 = tpu.vector_load %arg4[%get3A_471] {strides = array<i32>} : memref<2048xi32, #tpu.memory_space<vmem>>, vector<16xi32>,
    %lt3A_473 = arith.constant 256 : i32
    %lt3A_474 = vector.broadcast %lt3A_473 : i32 to vector<16xi32>
    %lt3A_475 = arith.cmpi slt, %get3A_472, %lt3A_474 : vector<16xi32>
    tpu.vector_store_idx %arg5[%get3A_472], %broadcast_in_dim3A_57 masked %lt3A_475 {add = true} : memref<256xi32, #tpu.memory_space<vmem>>[vector<16xi32>], vector<16xi32>, vector<16xi1>
    %get3A_476 = arith.constant 1344 : index
    %get3A_477 = tpu.vector_load %arg4[%get3A_476] {strides = array<i32>} : memref<2048xi32, #tpu.memory_space<vmem>>, vector<16xi32>,
    %lt3A_478 = arith.constant 256 : i32
    %lt3A_479 = vector.broadcast %lt3A_478 : i32 to vector<16xi32>
    %lt3A_480 = arith.cmpi slt, %get3A_477, %lt3A_479 : vector<16xi32>
    tpu.vector_store_idx %arg5[%get3A_477], %broadcast_in_dim3A_57 masked %lt3A_480 {add = true} : memref<256xi32, #tpu.memory_space<vmem>>[vector<16xi32>], vector<16xi32>, vector<16xi1>
    %get3A_481 = arith.constant 1360 : index
    %get3A_482 = tpu.vector_load %arg4[%get3A_481] {strides = array<i32>} : memref<2048xi32, #tpu.memory_space<vmem>>, vector<16xi32>,
    %lt3A_483 = arith.constant 256 : i32
    %lt3A_484 = vector.broadcast %lt3A_483 : i32 to vector<16xi32>
    %lt3A_485 = arith.cmpi slt, %get3A_482, %lt3A_484 : vector<16xi32>
    tpu.vector_store_idx %arg5[%get3A_482], %broadcast_in_dim3A_57 masked %lt3A_485 {add = true} : memref<256xi32, #tpu.memory_space<vmem>>[vector<16xi32>], vector<16xi32>, vector<16xi1>
    %get3A_486 = arith.constant 1376 : index
    %get3A_487 = tpu.vector_load %arg4[%get3A_486] {strides = array<i32>} : memref<2048xi32, #tpu.memory_space<vmem>>, vector<16xi32>,
    %lt3A_488 = arith.constant 256 : i32
    %lt3A_489 = vector.broadcast %lt3A_488 : i32 to vector<16xi32>
    %lt3A_490 = arith.cmpi slt, %get3A_487, %lt3A_489 : vector<16xi32>
    tpu.vector_store_idx %arg5[%get3A_487], %broadcast_in_dim3A_57 masked %lt3A_490 {add = true} : memref<256xi32, #tpu.memory_space<vmem>>[vector<16xi32>], vector<16xi32>, vector<16xi1>
    %get3A_491 = arith.constant 1392 : index
    %get3A_492 = tpu.vector_load %arg4[%get3A_491] {strides = array<i32>} : memref<2048xi32, #tpu.memory_space<vmem>>, vector<16xi32>,
    %lt3A_493 = arith.constant 256 : i32
    %lt3A_494 = vector.broadcast %lt3A_493 : i32 to vector<16xi32>
    %lt3A_495 = arith.cmpi slt, %get3A_492, %lt3A_494 : vector<16xi32>
    tpu.vector_store_idx %arg5[%get3A_492], %broadcast_in_dim3A_57 masked %lt3A_495 {add = true} : memref<256xi32, #tpu.memory_space<vmem>>[vector<16xi32>], vector<16xi32>, vector<16xi1>
    %get3A_496 = arith.constant 1408 : index
    %get3A_497 = tpu.vector_load %arg4[%get3A_496] {strides = array<i32>} : memref<2048xi32, #tpu.memory_space<vmem>>, vector<16xi32>,
    %lt3A_498 = arith.constant 256 : i32
    %lt3A_499 = vector.broadcast %lt3A_498 : i32 to vector<16xi32>
    %lt3A_500 = arith.cmpi slt, %get3A_497, %lt3A_499 : vector<16xi32>
    tpu.vector_store_idx %arg5[%get3A_497], %broadcast_in_dim3A_57 masked %lt3A_500 {add = true} : memref<256xi32, #tpu.memory_space<vmem>>[vector<16xi32>], vector<16xi32>, vector<16xi1>
    %get3A_501 = arith.constant 1424 : index
    %get3A_502 = tpu.vector_load %arg4[%get3A_501] {strides = array<i32>} : memref<2048xi32, #tpu.memory_space<vmem>>, vector<16xi32>,
    %lt3A_503 = arith.constant 256 : i32
    %lt3A_504 = vector.broadcast %lt3A_503 : i32 to vector<16xi32>
    %lt3A_505 = arith.cmpi slt, %get3A_502, %lt3A_504 : vector<16xi32>
    tpu.vector_store_idx %arg5[%get3A_502], %broadcast_in_dim3A_57 masked %lt3A_505 {add = true} : memref<256xi32, #tpu.memory_space<vmem>>[vector<16xi32>], vector<16xi32>, vector<16xi1>
    %get3A_506 = arith.constant 1440 : index
    %get3A_507 = tpu.vector_load %arg4[%get3A_506] {strides = array<i32>} : memref<2048xi32, #tpu.memory_space<vmem>>, vector<16xi32>,
    %lt3A_508 = arith.constant 256 : i32
    %lt3A_509 = vector.broadcast %lt3A_508 : i32 to vector<16xi32>
    %lt3A_510 = arith.cmpi slt, %get3A_507, %lt3A_509 : vector<16xi32>
    tpu.vector_store_idx %arg5[%get3A_507], %broadcast_in_dim3A_57 masked %lt3A_510 {add = true} : memref<256xi32, #tpu.memory_space<vmem>>[vector<16xi32>], vector<16xi32>, vector<16xi1>
    %get3A_511 = arith.constant 1456 : index
    %get3A_512 = tpu.vector_load %arg4[%get3A_511] {strides = array<i32>} : memref<2048xi32, #tpu.memory_space<vmem>>, vector<16xi32>,
    %lt3A_513 = arith.constant 256 : i32
    %lt3A_514 = vector.broadcast %lt3A_513 : i32 to vector<16xi32>
    %lt3A_515 = arith.cmpi slt, %get3A_512, %lt3A_514 : vector<16xi32>
    tpu.vector_store_idx %arg5[%get3A_512], %broadcast_in_dim3A_57 masked %lt3A_515 {add = true} : memref<256xi32, #tpu.memory_space<vmem>>[vector<16xi32>], vector<16xi32>, vector<16xi1>
    %get3A_516 = arith.constant 1472 : index
    %get3A_517 = tpu.vector_load %arg4[%get3A_516] {strides = array<i32>} : memref<2048xi32, #tpu.memory_space<vmem>>, vector<16xi32>,
    %lt3A_518 = arith.constant 256 : i32
    %lt3A_519 = vector.broadcast %lt3A_518 : i32 to vector<16xi32>
    %lt3A_520 = arith.cmpi slt, %get3A_517, %lt3A_519 : vector<16xi32>
    tpu.vector_store_idx %arg5[%get3A_517], %broadcast_in_dim3A_57 masked %lt3A_520 {add = true} : memref<256xi32, #tpu.memory_space<vmem>>[vector<16xi32>], vector<16xi32>, vector<16xi1>
    %get3A_521 = arith.constant 1488 : index
    %get3A_522 = tpu.vector_load %arg4[%get3A_521] {strides = array<i32>} : memref<2048xi32, #tpu.memory_space<vmem>>, vector<16xi32>,
    %lt3A_523 = arith.constant 256 : i32
    %lt3A_524 = vector.broadcast %lt3A_523 : i32 to vector<16xi32>
    %lt3A_525 = arith.cmpi slt, %get3A_522, %lt3A_524 : vector<16xi32>
    tpu.vector_store_idx %arg5[%get3A_522], %broadcast_in_dim3A_57 masked %lt3A_525 {add = true} : memref<256xi32, #tpu.memory_space<vmem>>[vector<16xi32>], vector<16xi32>, vector<16xi1>
    %get3A_526 = arith.constant 1504 : index
    %get3A_527 = tpu.vector_load %arg4[%get3A_526] {strides = array<i32>} : memref<2048xi32, #tpu.memory_space<vmem>>, vector<16xi32>,
    %lt3A_528 = arith.constant 256 : i32
    %lt3A_529 = vector.broadcast %lt3A_528 : i32 to vector<16xi32>
    %lt3A_530 = arith.cmpi slt, %get3A_527, %lt3A_529 : vector<16xi32>
    tpu.vector_store_idx %arg5[%get3A_527], %broadcast_in_dim3A_57 masked %lt3A_530 {add = true} : memref<256xi32, #tpu.memory_space<vmem>>[vector<16xi32>], vector<16xi32>, vector<16xi1>
    %get3A_531 = arith.constant 1520 : index
    %get3A_532 = tpu.vector_load %arg4[%get3A_531] {strides = array<i32>} : memref<2048xi32, #tpu.memory_space<vmem>>, vector<16xi32>,
    %lt3A_533 = arith.constant 256 : i32
    %lt3A_534 = vector.broadcast %lt3A_533 : i32 to vector<16xi32>
    %lt3A_535 = arith.cmpi slt, %get3A_532, %lt3A_534 : vector<16xi32>
    tpu.vector_store_idx %arg5[%get3A_532], %broadcast_in_dim3A_57 masked %lt3A_535 {add = true} : memref<256xi32, #tpu.memory_space<vmem>>[vector<16xi32>], vector<16xi32>, vector<16xi1>
    %get3A_536 = arith.constant 1536 : index
    %get3A_537 = tpu.vector_load %arg4[%get3A_536] {strides = array<i32>} : memref<2048xi32, #tpu.memory_space<vmem>>, vector<16xi32>,
    %lt3A_538 = arith.constant 256 : i32
    %lt3A_539 = vector.broadcast %lt3A_538 : i32 to vector<16xi32>
    %lt3A_540 = arith.cmpi slt, %get3A_537, %lt3A_539 : vector<16xi32>
    tpu.vector_store_idx %arg5[%get3A_537], %broadcast_in_dim3A_57 masked %lt3A_540 {add = true} : memref<256xi32, #tpu.memory_space<vmem>>[vector<16xi32>], vector<16xi32>, vector<16xi1>
    %get3A_541 = arith.constant 1552 : index
    %get3A_542 = tpu.vector_load %arg4[%get3A_541] {strides = array<i32>} : memref<2048xi32, #tpu.memory_space<vmem>>, vector<16xi32>,
    %lt3A_543 = arith.constant 256 : i32
    %lt3A_544 = vector.broadcast %lt3A_543 : i32 to vector<16xi32>
    %lt3A_545 = arith.cmpi slt, %get3A_542, %lt3A_544 : vector<16xi32>
    tpu.vector_store_idx %arg5[%get3A_542], %broadcast_in_dim3A_57 masked %lt3A_545 {add = true} : memref<256xi32, #tpu.memory_space<vmem>>[vector<16xi32>], vector<16xi32>, vector<16xi1>
    %get3A_546 = arith.constant 1568 : index
    %get3A_547 = tpu.vector_load %arg4[%get3A_546] {strides = array<i32>} : memref<2048xi32, #tpu.memory_space<vmem>>, vector<16xi32>,
    %lt3A_548 = arith.constant 256 : i32
    %lt3A_549 = vector.broadcast %lt3A_548 : i32 to vector<16xi32>
    %lt3A_550 = arith.cmpi slt, %get3A_547, %lt3A_549 : vector<16xi32>
    tpu.vector_store_idx %arg5[%get3A_547], %broadcast_in_dim3A_57 masked %lt3A_550 {add = true} : memref<256xi32, #tpu.memory_space<vmem>>[vector<16xi32>], vector<16xi32>, vector<16xi1>
    %get3A_551 = arith.constant 1584 : index
    %get3A_552 = tpu.vector_load %arg4[%get3A_551] {strides = array<i32>} : memref<2048xi32, #tpu.memory_space<vmem>>, vector<16xi32>,
    %lt3A_553 = arith.constant 256 : i32
    %lt3A_554 = vector.broadcast %lt3A_553 : i32 to vector<16xi32>
    %lt3A_555 = arith.cmpi slt, %get3A_552, %lt3A_554 : vector<16xi32>
    tpu.vector_store_idx %arg5[%get3A_552], %broadcast_in_dim3A_57 masked %lt3A_555 {add = true} : memref<256xi32, #tpu.memory_space<vmem>>[vector<16xi32>], vector<16xi32>, vector<16xi1>
    %get3A_556 = arith.constant 1600 : index
    %get3A_557 = tpu.vector_load %arg4[%get3A_556] {strides = array<i32>} : memref<2048xi32, #tpu.memory_space<vmem>>, vector<16xi32>,
    %lt3A_558 = arith.constant 256 : i32
    %lt3A_559 = vector.broadcast %lt3A_558 : i32 to vector<16xi32>
    %lt3A_560 = arith.cmpi slt, %get3A_557, %lt3A_559 : vector<16xi32>
    tpu.vector_store_idx %arg5[%get3A_557], %broadcast_in_dim3A_57 masked %lt3A_560 {add = true} : memref<256xi32, #tpu.memory_space<vmem>>[vector<16xi32>], vector<16xi32>, vector<16xi1>
    %get3A_561 = arith.constant 1616 : index
    %get3A_562 = tpu.vector_load %arg4[%get3A_561] {strides = array<i32>} : memref<2048xi32, #tpu.memory_space<vmem>>, vector<16xi32>,
    %lt3A_563 = arith.constant 256 : i32
    %lt3A_564 = vector.broadcast %lt3A_563 : i32 to vector<16xi32>
    %lt3A_565 = arith.cmpi slt, %get3A_562, %lt3A_564 : vector<16xi32>
    tpu.vector_store_idx %arg5[%get3A_562], %broadcast_in_dim3A_57 masked %lt3A_565 {add = true} : memref<256xi32, #tpu.memory_space<vmem>>[vector<16xi32>], vector<16xi32>, vector<16xi1>
    %get3A_566 = arith.constant 1632 : index
    %get3A_567 = tpu.vector_load %arg4[%get3A_566] {strides = array<i32>} : memref<2048xi32, #tpu.memory_space<vmem>>, vector<16xi32>,
    %lt3A_568 = arith.constant 256 : i32
    %lt3A_569 = vector.broadcast %lt3A_568 : i32 to vector<16xi32>
    %lt3A_570 = arith.cmpi slt, %get3A_567, %lt3A_569 : vector<16xi32>
    tpu.vector_store_idx %arg5[%get3A_567], %broadcast_in_dim3A_57 masked %lt3A_570 {add = true} : memref<256xi32, #tpu.memory_space<vmem>>[vector<16xi32>], vector<16xi32>, vector<16xi1>
    %get3A_571 = arith.constant 1648 : index
    %get3A_572 = tpu.vector_load %arg4[%get3A_571] {strides = array<i32>} : memref<2048xi32, #tpu.memory_space<vmem>>, vector<16xi32>,
    %lt3A_573 = arith.constant 256 : i32
    %lt3A_574 = vector.broadcast %lt3A_573 : i32 to vector<16xi32>
    %lt3A_575 = arith.cmpi slt, %get3A_572, %lt3A_574 : vector<16xi32>
    tpu.vector_store_idx %arg5[%get3A_572], %broadcast_in_dim3A_57 masked %lt3A_575 {add = true} : memref<256xi32, #tpu.memory_space<vmem>>[vector<16xi32>], vector<16xi32>, vector<16xi1>
    %get3A_576 = arith.constant 1664 : index
    %get3A_577 = tpu.vector_load %arg4[%get3A_576] {strides = array<i32>} : memref<2048xi32, #tpu.memory_space<vmem>>, vector<16xi32>,
    %lt3A_578 = arith.constant 256 : i32
    %lt3A_579 = vector.broadcast %lt3A_578 : i32 to vector<16xi32>
    %lt3A_580 = arith.cmpi slt, %get3A_577, %lt3A_579 : vector<16xi32>
    tpu.vector_store_idx %arg5[%get3A_577], %broadcast_in_dim3A_57 masked %lt3A_580 {add = true} : memref<256xi32, #tpu.memory_space<vmem>>[vector<16xi32>], vector<16xi32>, vector<16xi1>
    %get3A_581 = arith.constant 1680 : index
    %get3A_582 = tpu.vector_load %arg4[%get3A_581] {strides = array<i32>} : memref<2048xi32, #tpu.memory_space<vmem>>, vector<16xi32>,
    %lt3A_583 = arith.constant 256 : i32
    %lt3A_584 = vector.broadcast %lt3A_583 : i32 to vector<16xi32>
    %lt3A_585 = arith.cmpi slt, %get3A_582, %lt3A_584 : vector<16xi32>
    tpu.vector_store_idx %arg5[%get3A_582], %broadcast_in_dim3A_57 masked %lt3A_585 {add = true} : memref<256xi32, #tpu.memory_space<vmem>>[vector<16xi32>], vector<16xi32>, vector<16xi1>
    %get3A_586 = arith.constant 1696 : index
    %get3A_587 = tpu.vector_load %arg4[%get3A_586] {strides = array<i32>} : memref<2048xi32, #tpu.memory_space<vmem>>, vector<16xi32>,
    %lt3A_588 = arith.constant 256 : i32
    %lt3A_589 = vector.broadcast %lt3A_588 : i32 to vector<16xi32>
    %lt3A_590 = arith.cmpi slt, %get3A_587, %lt3A_589 : vector<16xi32>
    tpu.vector_store_idx %arg5[%get3A_587], %broadcast_in_dim3A_57 masked %lt3A_590 {add = true} : memref<256xi32, #tpu.memory_space<vmem>>[vector<16xi32>], vector<16xi32>, vector<16xi1>
    %get3A_591 = arith.constant 1712 : index
    %get3A_592 = tpu.vector_load %arg4[%get3A_591] {strides = array<i32>} : memref<2048xi32, #tpu.memory_space<vmem>>, vector<16xi32>,
    %lt3A_593 = arith.constant 256 : i32
    %lt3A_594 = vector.broadcast %lt3A_593 : i32 to vector<16xi32>
    %lt3A_595 = arith.cmpi slt, %get3A_592, %lt3A_594 : vector<16xi32>
    tpu.vector_store_idx %arg5[%get3A_592], %broadcast_in_dim3A_57 masked %lt3A_595 {add = true} : memref<256xi32, #tpu.memory_space<vmem>>[vector<16xi32>], vector<16xi32>, vector<16xi1>
    %get3A_596 = arith.constant 1728 : index
    %get3A_597 = tpu.vector_load %arg4[%get3A_596] {strides = array<i32>} : memref<2048xi32, #tpu.memory_space<vmem>>, vector<16xi32>,
    %lt3A_598 = arith.constant 256 : i32
    %lt3A_599 = vector.broadcast %lt3A_598 : i32 to vector<16xi32>
    %lt3A_600 = arith.cmpi slt, %get3A_597, %lt3A_599 : vector<16xi32>
    tpu.vector_store_idx %arg5[%get3A_597], %broadcast_in_dim3A_57 masked %lt3A_600 {add = true} : memref<256xi32, #tpu.memory_space<vmem>>[vector<16xi32>], vector<16xi32>, vector<16xi1>
    %get3A_601 = arith.constant 1744 : index
    %get3A_602 = tpu.vector_load %arg4[%get3A_601] {strides = array<i32>} : memref<2048xi32, #tpu.memory_space<vmem>>, vector<16xi32>,
    %lt3A_603 = arith.constant 256 : i32
    %lt3A_604 = vector.broadcast %lt3A_603 : i32 to vector<16xi32>
    %lt3A_605 = arith.cmpi slt, %get3A_602, %lt3A_604 : vector<16xi32>
    tpu.vector_store_idx %arg5[%get3A_602], %broadcast_in_dim3A_57 masked %lt3A_605 {add = true} : memref<256xi32, #tpu.memory_space<vmem>>[vector<16xi32>], vector<16xi32>, vector<16xi1>
    %get3A_606 = arith.constant 1760 : index
    %get3A_607 = tpu.vector_load %arg4[%get3A_606] {strides = array<i32>} : memref<2048xi32, #tpu.memory_space<vmem>>, vector<16xi32>,
    %lt3A_608 = arith.constant 256 : i32
    %lt3A_609 = vector.broadcast %lt3A_608 : i32 to vector<16xi32>
    %lt3A_610 = arith.cmpi slt, %get3A_607, %lt3A_609 : vector<16xi32>
    tpu.vector_store_idx %arg5[%get3A_607], %broadcast_in_dim3A_57 masked %lt3A_610 {add = true} : memref<256xi32, #tpu.memory_space<vmem>>[vector<16xi32>], vector<16xi32>, vector<16xi1>
    %get3A_611 = arith.constant 1776 : index
    %get3A_612 = tpu.vector_load %arg4[%get3A_611] {strides = array<i32>} : memref<2048xi32, #tpu.memory_space<vmem>>, vector<16xi32>,
    %lt3A_613 = arith.constant 256 : i32
    %lt3A_614 = vector.broadcast %lt3A_613 : i32 to vector<16xi32>
    %lt3A_615 = arith.cmpi slt, %get3A_612, %lt3A_614 : vector<16xi32>
    tpu.vector_store_idx %arg5[%get3A_612], %broadcast_in_dim3A_57 masked %lt3A_615 {add = true} : memref<256xi32, #tpu.memory_space<vmem>>[vector<16xi32>], vector<16xi32>, vector<16xi1>
    %get3A_616 = arith.constant 1792 : index
    %get3A_617 = tpu.vector_load %arg4[%get3A_616] {strides = array<i32>} : memref<2048xi32, #tpu.memory_space<vmem>>, vector<16xi32>,
    %lt3A_618 = arith.constant 256 : i32
    %lt3A_619 = vector.broadcast %lt3A_618 : i32 to vector<16xi32>
    %lt3A_620 = arith.cmpi slt, %get3A_617, %lt3A_619 : vector<16xi32>
    tpu.vector_store_idx %arg5[%get3A_617], %broadcast_in_dim3A_57 masked %lt3A_620 {add = true} : memref<256xi32, #tpu.memory_space<vmem>>[vector<16xi32>], vector<16xi32>, vector<16xi1>
    %get3A_621 = arith.constant 1808 : index
    %get3A_622 = tpu.vector_load %arg4[%get3A_621] {strides = array<i32>} : memref<2048xi32, #tpu.memory_space<vmem>>, vector<16xi32>,
    %lt3A_623 = arith.constant 256 : i32
    %lt3A_624 = vector.broadcast %lt3A_623 : i32 to vector<16xi32>
    %lt3A_625 = arith.cmpi slt, %get3A_622, %lt3A_624 : vector<16xi32>
    tpu.vector_store_idx %arg5[%get3A_622], %broadcast_in_dim3A_57 masked %lt3A_625 {add = true} : memref<256xi32, #tpu.memory_space<vmem>>[vector<16xi32>], vector<16xi32>, vector<16xi1>
    %get3A_626 = arith.constant 1824 : index
    %get3A_627 = tpu.vector_load %arg4[%get3A_626] {strides = array<i32>} : memref<2048xi32, #tpu.memory_space<vmem>>, vector<16xi32>,
    %lt3A_628 = arith.constant 256 : i32
    %lt3A_629 = vector.broadcast %lt3A_628 : i32 to vector<16xi32>
    %lt3A_630 = arith.cmpi slt, %get3A_627, %lt3A_629 : vector<16xi32>
    tpu.vector_store_idx %arg5[%get3A_627], %broadcast_in_dim3A_57 masked %lt3A_630 {add = true} : memref<256xi32, #tpu.memory_space<vmem>>[vector<16xi32>], vector<16xi32>, vector<16xi1>
    %get3A_631 = arith.constant 1840 : index
    %get3A_632 = tpu.vector_load %arg4[%get3A_631] {strides = array<i32>} : memref<2048xi32, #tpu.memory_space<vmem>>, vector<16xi32>,
    %lt3A_633 = arith.constant 256 : i32
    %lt3A_634 = vector.broadcast %lt3A_633 : i32 to vector<16xi32>
    %lt3A_635 = arith.cmpi slt, %get3A_632, %lt3A_634 : vector<16xi32>
    tpu.vector_store_idx %arg5[%get3A_632], %broadcast_in_dim3A_57 masked %lt3A_635 {add = true} : memref<256xi32, #tpu.memory_space<vmem>>[vector<16xi32>], vector<16xi32>, vector<16xi1>
    %get3A_636 = arith.constant 1856 : index
    %get3A_637 = tpu.vector_load %arg4[%get3A_636] {strides = array<i32>} : memref<2048xi32, #tpu.memory_space<vmem>>, vector<16xi32>,
    %lt3A_638 = arith.constant 256 : i32
    %lt3A_639 = vector.broadcast %lt3A_638 : i32 to vector<16xi32>
    %lt3A_640 = arith.cmpi slt, %get3A_637, %lt3A_639 : vector<16xi32>
    tpu.vector_store_idx %arg5[%get3A_637], %broadcast_in_dim3A_57 masked %lt3A_640 {add = true} : memref<256xi32, #tpu.memory_space<vmem>>[vector<16xi32>], vector<16xi32>, vector<16xi1>
    %get3A_641 = arith.constant 1872 : index
    %get3A_642 = tpu.vector_load %arg4[%get3A_641] {strides = array<i32>} : memref<2048xi32, #tpu.memory_space<vmem>>, vector<16xi32>,
    %lt3A_643 = arith.constant 256 : i32
    %lt3A_644 = vector.broadcast %lt3A_643 : i32 to vector<16xi32>
    %lt3A_645 = arith.cmpi slt, %get3A_642, %lt3A_644 : vector<16xi32>
    tpu.vector_store_idx %arg5[%get3A_642], %broadcast_in_dim3A_57 masked %lt3A_645 {add = true} : memref<256xi32, #tpu.memory_space<vmem>>[vector<16xi32>], vector<16xi32>, vector<16xi1>
    %get3A_646 = arith.constant 1888 : index
    %get3A_647 = tpu.vector_load %arg4[%get3A_646] {strides = array<i32>} : memref<2048xi32, #tpu.memory_space<vmem>>, vector<16xi32>,
    %lt3A_648 = arith.constant 256 : i32
    %lt3A_649 = vector.broadcast %lt3A_648 : i32 to vector<16xi32>
    %lt3A_650 = arith.cmpi slt, %get3A_647, %lt3A_649 : vector<16xi32>
    tpu.vector_store_idx %arg5[%get3A_647], %broadcast_in_dim3A_57 masked %lt3A_650 {add = true} : memref<256xi32, #tpu.memory_space<vmem>>[vector<16xi32>], vector<16xi32>, vector<16xi1>
    %get3A_651 = arith.constant 1904 : index
    %get3A_652 = tpu.vector_load %arg4[%get3A_651] {strides = array<i32>} : memref<2048xi32, #tpu.memory_space<vmem>>, vector<16xi32>,
    %lt3A_653 = arith.constant 256 : i32
    %lt3A_654 = vector.broadcast %lt3A_653 : i32 to vector<16xi32>
    %lt3A_655 = arith.cmpi slt, %get3A_652, %lt3A_654 : vector<16xi32>
    tpu.vector_store_idx %arg5[%get3A_652], %broadcast_in_dim3A_57 masked %lt3A_655 {add = true} : memref<256xi32, #tpu.memory_space<vmem>>[vector<16xi32>], vector<16xi32>, vector<16xi1>
    %get3A_656 = arith.constant 1920 : index
    %get3A_657 = tpu.vector_load %arg4[%get3A_656] {strides = array<i32>} : memref<2048xi32, #tpu.memory_space<vmem>>, vector<16xi32>,
    %lt3A_658 = arith.constant 256 : i32
    %lt3A_659 = vector.broadcast %lt3A_658 : i32 to vector<16xi32>
    %lt3A_660 = arith.cmpi slt, %get3A_657, %lt3A_659 : vector<16xi32>
    tpu.vector_store_idx %arg5[%get3A_657], %broadcast_in_dim3A_57 masked %lt3A_660 {add = true} : memref<256xi32, #tpu.memory_space<vmem>>[vector<16xi32>], vector<16xi32>, vector<16xi1>
    %get3A_661 = arith.constant 1936 : index
    %get3A_662 = tpu.vector_load %arg4[%get3A_661] {strides = array<i32>} : memref<2048xi32, #tpu.memory_space<vmem>>, vector<16xi32>,
    %lt3A_663 = arith.constant 256 : i32
    %lt3A_664 = vector.broadcast %lt3A_663 : i32 to vector<16xi32>
    %lt3A_665 = arith.cmpi slt, %get3A_662, %lt3A_664 : vector<16xi32>
    tpu.vector_store_idx %arg5[%get3A_662], %broadcast_in_dim3A_57 masked %lt3A_665 {add = true} : memref<256xi32, #tpu.memory_space<vmem>>[vector<16xi32>], vector<16xi32>, vector<16xi1>
    %get3A_666 = arith.constant 1952 : index
    %get3A_667 = tpu.vector_load %arg4[%get3A_666] {strides = array<i32>} : memref<2048xi32, #tpu.memory_space<vmem>>, vector<16xi32>,
    %lt3A_668 = arith.constant 256 : i32
    %lt3A_669 = vector.broadcast %lt3A_668 : i32 to vector<16xi32>
    %lt3A_670 = arith.cmpi slt, %get3A_667, %lt3A_669 : vector<16xi32>
    tpu.vector_store_idx %arg5[%get3A_667], %broadcast_in_dim3A_57 masked %lt3A_670 {add = true} : memref<256xi32, #tpu.memory_space<vmem>>[vector<16xi32>], vector<16xi32>, vector<16xi1>
    %get3A_671 = arith.constant 1968 : index
    %get3A_672 = tpu.vector_load %arg4[%get3A_671] {strides = array<i32>} : memref<2048xi32, #tpu.memory_space<vmem>>, vector<16xi32>,
    %lt3A_673 = arith.constant 256 : i32
    %lt3A_674 = vector.broadcast %lt3A_673 : i32 to vector<16xi32>
    %lt3A_675 = arith.cmpi slt, %get3A_672, %lt3A_674 : vector<16xi32>
    tpu.vector_store_idx %arg5[%get3A_672], %broadcast_in_dim3A_57 masked %lt3A_675 {add = true} : memref<256xi32, #tpu.memory_space<vmem>>[vector<16xi32>], vector<16xi32>, vector<16xi1>
    %get3A_676 = arith.constant 1984 : index
    %get3A_677 = tpu.vector_load %arg4[%get3A_676] {strides = array<i32>} : memref<2048xi32, #tpu.memory_space<vmem>>, vector<16xi32>,
    %lt3A_678 = arith.constant 256 : i32
    %lt3A_679 = vector.broadcast %lt3A_678 : i32 to vector<16xi32>
    %lt3A_680 = arith.cmpi slt, %get3A_677, %lt3A_679 : vector<16xi32>
    tpu.vector_store_idx %arg5[%get3A_677], %broadcast_in_dim3A_57 masked %lt3A_680 {add = true} : memref<256xi32, #tpu.memory_space<vmem>>[vector<16xi32>], vector<16xi32>, vector<16xi1>
    %get3A_681 = arith.constant 2000 : index
    %get3A_682 = tpu.vector_load %arg4[%get3A_681] {strides = array<i32>} : memref<2048xi32, #tpu.memory_space<vmem>>, vector<16xi32>,
    %lt3A_683 = arith.constant 256 : i32
    %lt3A_684 = vector.broadcast %lt3A_683 : i32 to vector<16xi32>
    %lt3A_685 = arith.cmpi slt, %get3A_682, %lt3A_684 : vector<16xi32>
    tpu.vector_store_idx %arg5[%get3A_682], %broadcast_in_dim3A_57 masked %lt3A_685 {add = true} : memref<256xi32, #tpu.memory_space<vmem>>[vector<16xi32>], vector<16xi32>, vector<16xi1>
    %get3A_686 = arith.constant 2016 : index
    %get3A_687 = tpu.vector_load %arg4[%get3A_686] {strides = array<i32>} : memref<2048xi32, #tpu.memory_space<vmem>>, vector<16xi32>,
    %lt3A_688 = arith.constant 256 : i32
    %lt3A_689 = vector.broadcast %lt3A_688 : i32 to vector<16xi32>
    %lt3A_690 = arith.cmpi slt, %get3A_687, %lt3A_689 : vector<16xi32>
    tpu.vector_store_idx %arg5[%get3A_687], %broadcast_in_dim3A_57 masked %lt3A_690 {add = true} : memref<256xi32, #tpu.memory_space<vmem>>[vector<16xi32>], vector<16xi32>, vector<16xi1>
    %get3A_691 = arith.constant 2032 : index
    %get3A_692 = tpu.vector_load %arg4[%get3A_691] {strides = array<i32>} : memref<2048xi32, #tpu.memory_space<vmem>>, vector<16xi32>,
    %lt3A_693 = arith.constant 256 : i32
    %lt3A_694 = vector.broadcast %lt3A_693 : i32 to vector<16xi32>
    %lt3A_695 = arith.cmpi slt, %get3A_692, %lt3A_694 : vector<16xi32>
    tpu.vector_store_idx %arg5[%get3A_692], %broadcast_in_dim3A_57 masked %lt3A_695 {add = true} : memref<256xi32, #tpu.memory_space<vmem>>[vector<16xi32>], vector<16xi32>, vector<16xi1>
    %eq3A = arith.constant 1 : i32
    %eq3A_696 = arith.cmpi eq, %select_n3A, %eq3A : i32
    %convert_element_type3A = arith.extui %eq3A_696 : i1 to i32
    %cond3A = arith.constant 0 : i32
    %cond3A_697 = arith.cmpi ne, %convert_element_type3A, %cond3A : i32
    scf.if %cond3A_697 {
      %sub3A_703 = arith.constant 8 : i32
      %sub3A_704 = arith.subi %arg1, %sub3A_703 : i32
      "tpu.region"() ({
        %run_scoped3A = tpu.sem_alloc : memref<!tpu.dma_semaphore, #tpu.memory_space<semaphore_mem>>
        %dma_start3A = arith.constant 0 : i32
        %dma_start3A_705 = tpu.memref_slice %arg8[%sub3A_704, %dma_start3A] : memref<8x256xi32, #tpu.memory_space<vmem_shared>> -> memref<1x256xi32, #tpu.memory_space<vmem_shared>>
        %dma_start3A_706 = tpu.memref_squeeze %dma_start3A_705 : memref<1x256xi32, #tpu.memory_space<vmem_shared>> -> memref<256xi32, #tpu.memory_space<vmem_shared>>
        %dma_start3A_707 = arith.constant 0 : i32
        %dma_start3A_708 = tpu.memref_slice %arg8[%sub3A_704, %dma_start3A_707] : memref<8x256xi32, #tpu.memory_space<vmem_shared>> -> memref<1x256xi32, #tpu.memory_space<vmem_shared>>
        %dma_start3A_709 = tpu.memref_squeeze %dma_start3A_708 : memref<1x256xi32, #tpu.memory_space<vmem_shared>> -> memref<256xi32, #tpu.memory_space<vmem_shared>>
        tpu.enqueue_dma source(%arg5 : memref<256xi32, #tpu.memory_space<vmem>>) target(%dma_start3A_709 : memref<256xi32, #tpu.memory_space<vmem_shared>>) target_semaphore(%run_scoped3A : memref<!tpu.dma_semaphore, #tpu.memory_space<semaphore_mem>>)
        %dma_wait3A = arith.constant 0 : i32
        %dma_wait3A_710 = tpu.memref_slice %arg8[%sub3A_704, %dma_wait3A] : memref<8x256xi32, #tpu.memory_space<vmem_shared>> -> memref<1x256xi32, #tpu.memory_space<vmem_shared>>
        %dma_wait3A_711 = tpu.memref_squeeze %dma_wait3A_710 : memref<1x256xi32, #tpu.memory_space<vmem_shared>> -> memref<256xi32, #tpu.memory_space<vmem_shared>>
        %dma_wait3A_712 = arith.constant 0 : i32
        %dma_wait3A_713 = tpu.memref_slice %arg8[%sub3A_704, %dma_wait3A_712] : memref<8x256xi32, #tpu.memory_space<vmem_shared>> -> memref<1x256xi32, #tpu.memory_space<vmem_shared>>
        %dma_wait3A_714 = tpu.memref_squeeze %dma_wait3A_713 : memref<1x256xi32, #tpu.memory_space<vmem_shared>> -> memref<256xi32, #tpu.memory_space<vmem_shared>>
        tpu.wait_dma2 semaphore(%run_scoped3A : memref<!tpu.dma_semaphore, #tpu.memory_space<semaphore_mem>>) src(%arg5 : memref<256xi32, #tpu.memory_space<vmem>>) dst(%dma_wait3A_714 : memref<256xi32, #tpu.memory_space<vmem_shared>>)
        tpu.yield
      }) : () -> ()
    } else {
    }
    %barrier3A = arith.constant 0 : index
    tpu.barrier barrier_id(%barrier3A)
    %eq3A_698 = arith.constant 0 : i32
    %eq3A_699 = arith.cmpi eq, %select_n3A, %eq3A_698 : i32
    %convert_element_type3A_700 = arith.extui %eq3A_699 : i1 to i32
    %cond3A_701 = arith.constant 0 : i32
    %cond3A_702 = arith.cmpi ne, %convert_element_type3A_700, %cond3A_701 : i32
    scf.if %cond3A_702 {
      "tpu.region"() ({
        %run_scoped3A = tpu.sem_alloc : memref<!tpu.dma_semaphore, #tpu.memory_space<semaphore_mem>>
        %dma_start3A = arith.constant 0 : i32
        %dma_start3A_872 = tpu.memref_slice %arg8[%arg1, %dma_start3A] : memref<8x256xi32, #tpu.memory_space<vmem_shared>> -> memref<1x256xi32, #tpu.memory_space<vmem_shared>>
        %dma_start3A_873 = tpu.memref_squeeze %dma_start3A_872 : memref<1x256xi32, #tpu.memory_space<vmem_shared>> -> memref<256xi32, #tpu.memory_space<vmem_shared>>
        %dma_start3A_874 = arith.constant 0 : i32
        %dma_start3A_875 = tpu.memref_slice %arg8[%arg1, %dma_start3A_874] : memref<8x256xi32, #tpu.memory_space<vmem_shared>> -> memref<1x256xi32, #tpu.memory_space<vmem_shared>>
        %dma_start3A_876 = tpu.memref_squeeze %dma_start3A_875 : memref<1x256xi32, #tpu.memory_space<vmem_shared>> -> memref<256xi32, #tpu.memory_space<vmem_shared>>
        tpu.enqueue_dma source(%dma_start3A_876 : memref<256xi32, #tpu.memory_space<vmem_shared>>) target(%arg6 : memref<256xi32, #tpu.memory_space<vmem>>) target_semaphore(%run_scoped3A : memref<!tpu.dma_semaphore, #tpu.memory_space<semaphore_mem>>)
        %dma_wait3A = arith.constant 0 : i32
        %dma_wait3A_877 = tpu.memref_slice %arg8[%arg1, %dma_wait3A] : memref<8x256xi32, #tpu.memory_space<vmem_shared>> -> memref<1x256xi32, #tpu.memory_space<vmem_shared>>
        %dma_wait3A_878 = tpu.memref_squeeze %dma_wait3A_877 : memref<1x256xi32, #tpu.memory_space<vmem_shared>> -> memref<256xi32, #tpu.memory_space<vmem_shared>>
        %dma_wait3A_879 = arith.constant 0 : i32
        %dma_wait3A_880 = tpu.memref_slice %arg8[%arg1, %dma_wait3A_879] : memref<8x256xi32, #tpu.memory_space<vmem_shared>> -> memref<1x256xi32, #tpu.memory_space<vmem_shared>>
        %dma_wait3A_881 = tpu.memref_squeeze %dma_wait3A_880 : memref<1x256xi32, #tpu.memory_space<vmem_shared>> -> memref<256xi32, #tpu.memory_space<vmem_shared>>
        tpu.wait_dma2 semaphore(%run_scoped3A : memref<!tpu.dma_semaphore, #tpu.memory_space<semaphore_mem>>) src(%dma_wait3A_881 : memref<256xi32, #tpu.memory_space<vmem_shared>>) dst(%arg6 : memref<256xi32, #tpu.memory_space<vmem>>)
        tpu.yield
      }) : () -> ()
      %broadcast_in_dim3A_703 = arith.constant 0 : i32
      %broadcast_in_dim3A_704 = vector.broadcast %broadcast_in_dim3A_703 : i32 to vector<16xi32>
      %get3A_705 = arith.constant 0 : index
      %get3A_706 = tpu.vector_load %arg5[%get3A_705] {strides = array<i32>} : memref<256xi32, #tpu.memory_space<vmem>>, vector<16xi32>,
      %get3A_707 = arith.constant 0 : index
      %get3A_708 = tpu.vector_load %arg6[%get3A_707] {strides = array<i32>} : memref<256xi32, #tpu.memory_space<vmem>>, vector<16xi32>,
      %add3A_709 = arith.addi %get3A_706, %get3A_708 : vector<16xi32>
      %add3A_710 = arith.addi %broadcast_in_dim3A_704, %add3A_709 : vector<16xi32>
      %get3A_711 = arith.constant 16 : index
      %get3A_712 = tpu.vector_load %arg5[%get3A_711] {strides = array<i32>} : memref<256xi32, #tpu.memory_space<vmem>>, vector<16xi32>,
      %get3A_713 = arith.constant 16 : index
      %get3A_714 = tpu.vector_load %arg6[%get3A_713] {strides = array<i32>} : memref<256xi32, #tpu.memory_space<vmem>>, vector<16xi32>,
      %add3A_715 = arith.addi %get3A_712, %get3A_714 : vector<16xi32>
      %add3A_716 = arith.addi %add3A_710, %add3A_715 : vector<16xi32>
      %get3A_717 = arith.constant 32 : index
      %get3A_718 = tpu.vector_load %arg5[%get3A_717] {strides = array<i32>} : memref<256xi32, #tpu.memory_space<vmem>>, vector<16xi32>,
      %get3A_719 = arith.constant 32 : index
      %get3A_720 = tpu.vector_load %arg6[%get3A_719] {strides = array<i32>} : memref<256xi32, #tpu.memory_space<vmem>>, vector<16xi32>,
      %add3A_721 = arith.addi %get3A_718, %get3A_720 : vector<16xi32>
      %add3A_722 = arith.addi %add3A_716, %add3A_721 : vector<16xi32>
      %get3A_723 = arith.constant 48 : index
      %get3A_724 = tpu.vector_load %arg5[%get3A_723] {strides = array<i32>} : memref<256xi32, #tpu.memory_space<vmem>>, vector<16xi32>,
      %get3A_725 = arith.constant 48 : index
      %get3A_726 = tpu.vector_load %arg6[%get3A_725] {strides = array<i32>} : memref<256xi32, #tpu.memory_space<vmem>>, vector<16xi32>,
      %add3A_727 = arith.addi %get3A_724, %get3A_726 : vector<16xi32>
      %add3A_728 = arith.addi %add3A_722, %add3A_727 : vector<16xi32>
      %get3A_729 = arith.constant 64 : index
      %get3A_730 = tpu.vector_load %arg5[%get3A_729] {strides = array<i32>} : memref<256xi32, #tpu.memory_space<vmem>>, vector<16xi32>,
      %get3A_731 = arith.constant 64 : index
      %get3A_732 = tpu.vector_load %arg6[%get3A_731] {strides = array<i32>} : memref<256xi32, #tpu.memory_space<vmem>>, vector<16xi32>,
      %add3A_733 = arith.addi %get3A_730, %get3A_732 : vector<16xi32>
      %add3A_734 = arith.addi %add3A_728, %add3A_733 : vector<16xi32>
      %get3A_735 = arith.constant 80 : index
      %get3A_736 = tpu.vector_load %arg5[%get3A_735] {strides = array<i32>} : memref<256xi32, #tpu.memory_space<vmem>>, vector<16xi32>,
      %get3A_737 = arith.constant 80 : index
      %get3A_738 = tpu.vector_load %arg6[%get3A_737] {strides = array<i32>} : memref<256xi32, #tpu.memory_space<vmem>>, vector<16xi32>,
      %add3A_739 = arith.addi %get3A_736, %get3A_738 : vector<16xi32>
      %add3A_740 = arith.addi %add3A_734, %add3A_739 : vector<16xi32>
      %get3A_741 = arith.constant 96 : index
      %get3A_742 = tpu.vector_load %arg5[%get3A_741] {strides = array<i32>} : memref<256xi32, #tpu.memory_space<vmem>>, vector<16xi32>,
      %get3A_743 = arith.constant 96 : index
      %get3A_744 = tpu.vector_load %arg6[%get3A_743] {strides = array<i32>} : memref<256xi32, #tpu.memory_space<vmem>>, vector<16xi32>,
      %add3A_745 = arith.addi %get3A_742, %get3A_744 : vector<16xi32>
      %add3A_746 = arith.addi %add3A_740, %add3A_745 : vector<16xi32>
      %get3A_747 = arith.constant 112 : index
      %get3A_748 = tpu.vector_load %arg5[%get3A_747] {strides = array<i32>} : memref<256xi32, #tpu.memory_space<vmem>>, vector<16xi32>,
      %get3A_749 = arith.constant 112 : index
      %get3A_750 = tpu.vector_load %arg6[%get3A_749] {strides = array<i32>} : memref<256xi32, #tpu.memory_space<vmem>>, vector<16xi32>,
      %add3A_751 = arith.addi %get3A_748, %get3A_750 : vector<16xi32>
      %add3A_752 = arith.addi %add3A_746, %add3A_751 : vector<16xi32>
      %get3A_753 = arith.constant 128 : index
      %get3A_754 = tpu.vector_load %arg5[%get3A_753] {strides = array<i32>} : memref<256xi32, #tpu.memory_space<vmem>>, vector<16xi32>,
      %get3A_755 = arith.constant 128 : index
      %get3A_756 = tpu.vector_load %arg6[%get3A_755] {strides = array<i32>} : memref<256xi32, #tpu.memory_space<vmem>>, vector<16xi32>,
      %add3A_757 = arith.addi %get3A_754, %get3A_756 : vector<16xi32>
      %add3A_758 = arith.addi %add3A_752, %add3A_757 : vector<16xi32>
      %get3A_759 = arith.constant 144 : index
      %get3A_760 = tpu.vector_load %arg5[%get3A_759] {strides = array<i32>} : memref<256xi32, #tpu.memory_space<vmem>>, vector<16xi32>,
      %get3A_761 = arith.constant 144 : index
      %get3A_762 = tpu.vector_load %arg6[%get3A_761] {strides = array<i32>} : memref<256xi32, #tpu.memory_space<vmem>>, vector<16xi32>,
      %add3A_763 = arith.addi %get3A_760, %get3A_762 : vector<16xi32>
      %add3A_764 = arith.addi %add3A_758, %add3A_763 : vector<16xi32>
      %get3A_765 = arith.constant 160 : index
      %get3A_766 = tpu.vector_load %arg5[%get3A_765] {strides = array<i32>} : memref<256xi32, #tpu.memory_space<vmem>>, vector<16xi32>,
      %get3A_767 = arith.constant 160 : index
      %get3A_768 = tpu.vector_load %arg6[%get3A_767] {strides = array<i32>} : memref<256xi32, #tpu.memory_space<vmem>>, vector<16xi32>,
      %add3A_769 = arith.addi %get3A_766, %get3A_768 : vector<16xi32>
      %add3A_770 = arith.addi %add3A_764, %add3A_769 : vector<16xi32>
      %get3A_771 = arith.constant 176 : index
      %get3A_772 = tpu.vector_load %arg5[%get3A_771] {strides = array<i32>} : memref<256xi32, #tpu.memory_space<vmem>>, vector<16xi32>,
      %get3A_773 = arith.constant 176 : index
      %get3A_774 = tpu.vector_load %arg6[%get3A_773] {strides = array<i32>} : memref<256xi32, #tpu.memory_space<vmem>>, vector<16xi32>,
      %add3A_775 = arith.addi %get3A_772, %get3A_774 : vector<16xi32>
      %add3A_776 = arith.addi %add3A_770, %add3A_775 : vector<16xi32>
      %get3A_777 = arith.constant 192 : index
      %get3A_778 = tpu.vector_load %arg5[%get3A_777] {strides = array<i32>} : memref<256xi32, #tpu.memory_space<vmem>>, vector<16xi32>,
      %get3A_779 = arith.constant 192 : index
      %get3A_780 = tpu.vector_load %arg6[%get3A_779] {strides = array<i32>} : memref<256xi32, #tpu.memory_space<vmem>>, vector<16xi32>,
      %add3A_781 = arith.addi %get3A_778, %get3A_780 : vector<16xi32>
      %add3A_782 = arith.addi %add3A_776, %add3A_781 : vector<16xi32>
      %get3A_783 = arith.constant 208 : index
      %get3A_784 = tpu.vector_load %arg5[%get3A_783] {strides = array<i32>} : memref<256xi32, #tpu.memory_space<vmem>>, vector<16xi32>,
      %get3A_785 = arith.constant 208 : index
      %get3A_786 = tpu.vector_load %arg6[%get3A_785] {strides = array<i32>} : memref<256xi32, #tpu.memory_space<vmem>>, vector<16xi32>,
      %add3A_787 = arith.addi %get3A_784, %get3A_786 : vector<16xi32>
      %add3A_788 = arith.addi %add3A_782, %add3A_787 : vector<16xi32>
      %get3A_789 = arith.constant 224 : index
      %get3A_790 = tpu.vector_load %arg5[%get3A_789] {strides = array<i32>} : memref<256xi32, #tpu.memory_space<vmem>>, vector<16xi32>,
      %get3A_791 = arith.constant 224 : index
      %get3A_792 = tpu.vector_load %arg6[%get3A_791] {strides = array<i32>} : memref<256xi32, #tpu.memory_space<vmem>>, vector<16xi32>,
      %add3A_793 = arith.addi %get3A_790, %get3A_792 : vector<16xi32>
      %add3A_794 = arith.addi %add3A_788, %add3A_793 : vector<16xi32>
      %get3A_795 = arith.constant 240 : index
      %get3A_796 = tpu.vector_load %arg5[%get3A_795] {strides = array<i32>} : memref<256xi32, #tpu.memory_space<vmem>>, vector<16xi32>,
      %get3A_797 = arith.constant 240 : index
      %get3A_798 = tpu.vector_load %arg6[%get3A_797] {strides = array<i32>} : memref<256xi32, #tpu.memory_space<vmem>>, vector<16xi32>,
      %add3A_799 = arith.addi %get3A_796, %get3A_798 : vector<16xi32>
      %add3A_800 = arith.addi %add3A_794, %add3A_799 : vector<16xi32>
      %reduce_sum3A = arith.constant true
      %reduce_sum3A_801 = vector.broadcast %reduce_sum3A : i1 to vector<16xi1>
      %reduce_sum3A_802 = tpu.scan <sum>, %add3A_800 masked %reduce_sum3A_801 : vector<16xi32>, vector<16xi1> -> vector<16xi32>
      %reduce_sum3A_803 = vector.extract %reduce_sum3A_802[15] : i32 from vector<16xi32>
      %broadcast_in_dim3A_804 = vector.broadcast %reduce_sum3A_803 : i32 to vector<16xi32>
      %convert_element_type3A_805 = arith.sitofp %broadcast_in_dim3A_804 : vector<16xi32> to vector<16xf32>
      %convert_element_type3A_806 = arith.sitofp %add3A_709 : vector<16xi32> to vector<16xf32>
      %div3A_807 = arith.divf %convert_element_type3A_806, %convert_element_type3A_805 : vector<16xf32>
      %swap3A_808 = arith.constant 0 : index
      %swap3A_809 = tpu.vector_load %arg7[%swap3A_808] {strides = array<i32>} : memref<256xf32, #tpu.memory_space<vmem>>, vector<16xf32>,
      tpu.vector_store %arg7[%swap3A_808], %div3A_807 {strides = array<i32>} : memref<256xf32, #tpu.memory_space<vmem>>, vector<16xf32>,
      %convert_element_type3A_810 = arith.sitofp %add3A_715 : vector<16xi32> to vector<16xf32>
      %div3A_811 = arith.divf %convert_element_type3A_810, %convert_element_type3A_805 : vector<16xf32>
      %swap3A_812 = arith.constant 16 : index
      %swap3A_813 = tpu.vector_load %arg7[%swap3A_812] {strides = array<i32>} : memref<256xf32, #tpu.memory_space<vmem>>, vector<16xf32>,
      tpu.vector_store %arg7[%swap3A_812], %div3A_811 {strides = array<i32>} : memref<256xf32, #tpu.memory_space<vmem>>, vector<16xf32>,
      %convert_element_type3A_814 = arith.sitofp %add3A_721 : vector<16xi32> to vector<16xf32>
      %div3A_815 = arith.divf %convert_element_type3A_814, %convert_element_type3A_805 : vector<16xf32>
      %swap3A_816 = arith.constant 32 : index
      %swap3A_817 = tpu.vector_load %arg7[%swap3A_816] {strides = array<i32>} : memref<256xf32, #tpu.memory_space<vmem>>, vector<16xf32>,
      tpu.vector_store %arg7[%swap3A_816], %div3A_815 {strides = array<i32>} : memref<256xf32, #tpu.memory_space<vmem>>, vector<16xf32>,
      %convert_element_type3A_818 = arith.sitofp %add3A_727 : vector<16xi32> to vector<16xf32>
      %div3A_819 = arith.divf %convert_element_type3A_818, %convert_element_type3A_805 : vector<16xf32>
      %swap3A_820 = arith.constant 48 : index
      %swap3A_821 = tpu.vector_load %arg7[%swap3A_820] {strides = array<i32>} : memref<256xf32, #tpu.memory_space<vmem>>, vector<16xf32>,
      tpu.vector_store %arg7[%swap3A_820], %div3A_819 {strides = array<i32>} : memref<256xf32, #tpu.memory_space<vmem>>, vector<16xf32>,
      %convert_element_type3A_822 = arith.sitofp %add3A_733 : vector<16xi32> to vector<16xf32>
      %div3A_823 = arith.divf %convert_element_type3A_822, %convert_element_type3A_805 : vector<16xf32>
      %swap3A_824 = arith.constant 64 : index
      %swap3A_825 = tpu.vector_load %arg7[%swap3A_824] {strides = array<i32>} : memref<256xf32, #tpu.memory_space<vmem>>, vector<16xf32>,
      tpu.vector_store %arg7[%swap3A_824], %div3A_823 {strides = array<i32>} : memref<256xf32, #tpu.memory_space<vmem>>, vector<16xf32>,
      %convert_element_type3A_826 = arith.sitofp %add3A_739 : vector<16xi32> to vector<16xf32>
      %div3A_827 = arith.divf %convert_element_type3A_826, %convert_element_type3A_805 : vector<16xf32>
      %swap3A_828 = arith.constant 80 : index
      %swap3A_829 = tpu.vector_load %arg7[%swap3A_828] {strides = array<i32>} : memref<256xf32, #tpu.memory_space<vmem>>, vector<16xf32>,
      tpu.vector_store %arg7[%swap3A_828], %div3A_827 {strides = array<i32>} : memref<256xf32, #tpu.memory_space<vmem>>, vector<16xf32>,
      %convert_element_type3A_830 = arith.sitofp %add3A_745 : vector<16xi32> to vector<16xf32>
      %div3A_831 = arith.divf %convert_element_type3A_830, %convert_element_type3A_805 : vector<16xf32>
      %swap3A_832 = arith.constant 96 : index
      %swap3A_833 = tpu.vector_load %arg7[%swap3A_832] {strides = array<i32>} : memref<256xf32, #tpu.memory_space<vmem>>, vector<16xf32>,
      tpu.vector_store %arg7[%swap3A_832], %div3A_831 {strides = array<i32>} : memref<256xf32, #tpu.memory_space<vmem>>, vector<16xf32>,
      %convert_element_type3A_834 = arith.sitofp %add3A_751 : vector<16xi32> to vector<16xf32>
      %div3A_835 = arith.divf %convert_element_type3A_834, %convert_element_type3A_805 : vector<16xf32>
      %swap3A_836 = arith.constant 112 : index
      %swap3A_837 = tpu.vector_load %arg7[%swap3A_836] {strides = array<i32>} : memref<256xf32, #tpu.memory_space<vmem>>, vector<16xf32>,
      tpu.vector_store %arg7[%swap3A_836], %div3A_835 {strides = array<i32>} : memref<256xf32, #tpu.memory_space<vmem>>, vector<16xf32>,
      %convert_element_type3A_838 = arith.sitofp %add3A_757 : vector<16xi32> to vector<16xf32>
      %div3A_839 = arith.divf %convert_element_type3A_838, %convert_element_type3A_805 : vector<16xf32>
      %swap3A_840 = arith.constant 128 : index
      %swap3A_841 = tpu.vector_load %arg7[%swap3A_840] {strides = array<i32>} : memref<256xf32, #tpu.memory_space<vmem>>, vector<16xf32>,
      tpu.vector_store %arg7[%swap3A_840], %div3A_839 {strides = array<i32>} : memref<256xf32, #tpu.memory_space<vmem>>, vector<16xf32>,
      %convert_element_type3A_842 = arith.sitofp %add3A_763 : vector<16xi32> to vector<16xf32>
      %div3A_843 = arith.divf %convert_element_type3A_842, %convert_element_type3A_805 : vector<16xf32>
      %swap3A_844 = arith.constant 144 : index
      %swap3A_845 = tpu.vector_load %arg7[%swap3A_844] {strides = array<i32>} : memref<256xf32, #tpu.memory_space<vmem>>, vector<16xf32>,
      tpu.vector_store %arg7[%swap3A_844], %div3A_843 {strides = array<i32>} : memref<256xf32, #tpu.memory_space<vmem>>, vector<16xf32>,
      %convert_element_type3A_846 = arith.sitofp %add3A_769 : vector<16xi32> to vector<16xf32>
      %div3A_847 = arith.divf %convert_element_type3A_846, %convert_element_type3A_805 : vector<16xf32>
      %swap3A_848 = arith.constant 160 : index
      %swap3A_849 = tpu.vector_load %arg7[%swap3A_848] {strides = array<i32>} : memref<256xf32, #tpu.memory_space<vmem>>, vector<16xf32>,
      tpu.vector_store %arg7[%swap3A_848], %div3A_847 {strides = array<i32>} : memref<256xf32, #tpu.memory_space<vmem>>, vector<16xf32>,
      %convert_element_type3A_850 = arith.sitofp %add3A_775 : vector<16xi32> to vector<16xf32>
      %div3A_851 = arith.divf %convert_element_type3A_850, %convert_element_type3A_805 : vector<16xf32>
      %swap3A_852 = arith.constant 176 : index
      %swap3A_853 = tpu.vector_load %arg7[%swap3A_852] {strides = array<i32>} : memref<256xf32, #tpu.memory_space<vmem>>, vector<16xf32>,
      tpu.vector_store %arg7[%swap3A_852], %div3A_851 {strides = array<i32>} : memref<256xf32, #tpu.memory_space<vmem>>, vector<16xf32>,
      %convert_element_type3A_854 = arith.sitofp %add3A_781 : vector<16xi32> to vector<16xf32>
      %div3A_855 = arith.divf %convert_element_type3A_854, %convert_element_type3A_805 : vector<16xf32>
      %swap3A_856 = arith.constant 192 : index
      %swap3A_857 = tpu.vector_load %arg7[%swap3A_856] {strides = array<i32>} : memref<256xf32, #tpu.memory_space<vmem>>, vector<16xf32>,
      tpu.vector_store %arg7[%swap3A_856], %div3A_855 {strides = array<i32>} : memref<256xf32, #tpu.memory_space<vmem>>, vector<16xf32>,
      %convert_element_type3A_858 = arith.sitofp %add3A_787 : vector<16xi32> to vector<16xf32>
      %div3A_859 = arith.divf %convert_element_type3A_858, %convert_element_type3A_805 : vector<16xf32>
      %swap3A_860 = arith.constant 208 : index
      %swap3A_861 = tpu.vector_load %arg7[%swap3A_860] {strides = array<i32>} : memref<256xf32, #tpu.memory_space<vmem>>, vector<16xf32>,
      tpu.vector_store %arg7[%swap3A_860], %div3A_859 {strides = array<i32>} : memref<256xf32, #tpu.memory_space<vmem>>, vector<16xf32>,
      %convert_element_type3A_862 = arith.sitofp %add3A_793 : vector<16xi32> to vector<16xf32>
      %div3A_863 = arith.divf %convert_element_type3A_862, %convert_element_type3A_805 : vector<16xf32>
      %swap3A_864 = arith.constant 224 : index
      %swap3A_865 = tpu.vector_load %arg7[%swap3A_864] {strides = array<i32>} : memref<256xf32, #tpu.memory_space<vmem>>, vector<16xf32>,
      tpu.vector_store %arg7[%swap3A_864], %div3A_863 {strides = array<i32>} : memref<256xf32, #tpu.memory_space<vmem>>, vector<16xf32>,
      %convert_element_type3A_866 = arith.sitofp %add3A_799 : vector<16xi32> to vector<16xf32>
      %div3A_867 = arith.divf %convert_element_type3A_866, %convert_element_type3A_805 : vector<16xf32>
      %swap3A_868 = arith.constant 240 : index
      %swap3A_869 = tpu.vector_load %arg7[%swap3A_868] {strides = array<i32>} : memref<256xf32, #tpu.memory_space<vmem>>, vector<16xf32>,
      tpu.vector_store %arg7[%swap3A_868], %div3A_867 {strides = array<i32>} : memref<256xf32, #tpu.memory_space<vmem>>, vector<16xf32>,
      %mul3A_870 = arith.constant 256 : i32
      %mul3A_871 = arith.muli %add3A, %mul3A_870 : i32
      "tpu.region"() ({
        %run_scoped3A = tpu.sem_alloc : memref<!tpu.dma_semaphore, #tpu.memory_space<semaphore_mem>>
        %dma_start3A = tpu.memref_slice %arg3[%mul3A_871] : memref<4096xf32, #tpu.memory_space<hbm>> -> memref<256xf32, #tpu.memory_space<hbm>>
        %dma_start3A_872 = tpu.memref_slice %arg3[%mul3A_871] : memref<4096xf32, #tpu.memory_space<hbm>> -> memref<256xf32, #tpu.memory_space<hbm>>
        tpu.enqueue_dma source(%arg7 : memref<256xf32, #tpu.memory_space<vmem>>) target(%dma_start3A_872 : memref<256xf32, #tpu.memory_space<hbm>>) target_semaphore(%run_scoped3A : memref<!tpu.dma_semaphore, #tpu.memory_space<semaphore_mem>>)
        %dma_wait3A = tpu.memref_slice %arg3[%mul3A_871] : memref<4096xf32, #tpu.memory_space<hbm>> -> memref<256xf32, #tpu.memory_space<hbm>>
        %dma_wait3A_873 = tpu.memref_slice %arg3[%mul3A_871] : memref<4096xf32, #tpu.memory_space<hbm>> -> memref<256xf32, #tpu.memory_space<hbm>>
        tpu.wait_dma2 semaphore(%run_scoped3A : memref<!tpu.dma_semaphore, #tpu.memory_space<semaphore_mem>>) src(%arg7 : memref<256xf32, #tpu.memory_space<vmem>>) dst(%dma_wait3A_873 : memref<256xf32, #tpu.memory_space<hbm>>)
        tpu.yield
      }) : () -> ()
    } else {
    }
    return
  }
}

module attributes {stable_mosaic.version = 14 : i64} {
  func.func @_rowsum_body(%arg0: i32, %arg1: memref<2x256x4096xi32, #tpu.memory_space<vmem>>, %arg2: memref<8192xi32, #tpu.memory_space<vmem>>) attributes {dimension_semantics = [#tpu.dimension_semantics<arbitrary>], iteration_bounds = array<i64: 8>, scalar_prefetch = 0 : i64, scratch_operands = 0 : i64, tpu.core_type = #tpu.core_type<tc>, window_params = [{transform_indices = @transform_0, window_bounds = array<i64: 2, 256, 4096>}, {transform_indices = @transform_1, window_bounds = array<i64: 8192>}]} {
    %get3A = arith.constant 0 : index
    %get3A_0 = arith.constant 0 : index
    %get3A_1 = arith.constant 0 : index
    %get3A_2 = vector.load %arg1[%get3A, %get3A_0, %get3A_1] : memref<2x256x4096xi32, #tpu.memory_space<vmem>>, vector<2x256x4096xi32>
    %slice3A = vector.extract_strided_slice %get3A_2 {offsets = [0, 0, 0], sizes = [1, 256, 4096], strides = [1, 1, 1]} : vector<2x256x4096xi32> to vector<1x256x4096xi32>
    %squeeze3A = vector.shape_cast %slice3A : vector<1x256x4096xi32> to vector<256x4096xi32>
    %reduce_sum3A = arith.constant dense<0> : vector<4096xi32>
    %reduce_sum3A_3 = vector.multi_reduction <add>, %squeeze3A, %reduce_sum3A [0] : vector<256x4096xi32> to vector<4096xi32>
    %swap3A = arith.constant 0 : index
    %swap3A_4 = vector.load %arg2[%swap3A] : memref<8192xi32, #tpu.memory_space<vmem>>, vector<4096xi32>
    tpu.vector_store %arg2[%swap3A], %reduce_sum3A_3 {strides = array<i32>} : memref<8192xi32, #tpu.memory_space<vmem>>, vector<4096xi32>,
    %slice3A_5 = vector.extract_strided_slice %get3A_2 {offsets = [1, 0, 0], sizes = [1, 256, 4096], strides = [1, 1, 1]} : vector<2x256x4096xi32> to vector<1x256x4096xi32>
    %squeeze3A_6 = vector.shape_cast %slice3A_5 : vector<1x256x4096xi32> to vector<256x4096xi32>
    %reduce_sum3A_7 = arith.constant dense<0> : vector<4096xi32>
    %reduce_sum3A_8 = vector.multi_reduction <add>, %squeeze3A_6, %reduce_sum3A_7 [0] : vector<256x4096xi32> to vector<4096xi32>
    %swap3A_9 = arith.constant 4096 : index
    %swap3A_10 = vector.load %arg2[%swap3A_9] : memref<8192xi32, #tpu.memory_space<vmem>>, vector<4096xi32>
    tpu.vector_store %arg2[%swap3A_9], %reduce_sum3A_8 {strides = array<i32>} : memref<8192xi32, #tpu.memory_space<vmem>>, vector<4096xi32>,
    return
  }
  func.func @transform_0(%arg0: i32) -> (i32, i32, i32) {
    %c0_i32 = arith.constant 0 : i32
    %c0_i32_0 = arith.constant 0 : i32
    %c0_i32_1 = arith.constant 0 : i32
    return %arg0, %c0_i32, %c0_i32_0 : i32, i32, i32
  }
  func.func @transform_1(%arg0: i32) -> i32 {
    %c0_i32 = arith.constant 0 : i32
    return %arg0 : i32
  }
}

</mosaic_0001>

<sc_bundles>
// kernel: kernel.4.cloned.1.call-start
scs
__scs_entry_jumppad:
0x0: {  	(pc) =	sbr.rel $0x88, $3  }
0x1: {  	(tag) =	ssettag $0x0;
	lr =	simm.s32 $0x1  }
0x2: {  	[smem:$0x3FA0] =	sst lr;
	_ =	strace $0xD0000000  }
0x3: {  	_ = 	snop  }
0x4: {  	_ = 	snop  }
0x5: {  	_ = 	snop  }
0x6: {  	_ = 	snop  }
0x7: {  	_ = 	snop  }
__scs_overlays_trampoline_lowered:
0x8: {  	[smem:$0x3FAF] =	sst s0  }
0x9: {  	[smem:$0x3FB0] =	sst s1  }
0xa: {  	[smem:$0x3FB1] =	sst s2  }
0xb: {  	[smem:$0x3FB2] =	sst s3  }
0xc: {  	[smem:$0x3FB3] =	sst s4  }
0xd: {  	[smem:$0x3FB4] =	sst s5  }
0xe: {  	[smem:$0x3FB5] =	sst s6  }
0xf: {  	[smem:$0x3FB6] =	sst s7  }
0x10: {  	[smem:$0x3FB7] =	sst s8  }
0x11: {  	[smem:$0x3FB8] =	sst s9;
	s0 =	simm.s32 @!p0 $0x0  }
0x12: {  	s1 =	sld [smem:$0x3F9E];
	s0 =	simm.s32 @p0 $0x1  }
0x13: {  	[smem:$0x3FB9] =	sst s0;
	s0 =	simm.s32 @!p1 $0x0  }
0x14: {  	s2 =	sld [smem:$0x3F9D];
	s0 =	simm.s32 @p1 $0x1  }
0x15: {  	[smem:$0x3FBA] =	sst s0;
	s0 =	simm.s32 @!p2 $0x0  }
0x16: {  	s3 =	sld [smem:$0x3FDB];
	s0 =	simm.s32 @p2 $0x1  }
0x17: {  	s4 =	simm.s32 $0x1BF5;
	[smem:$0x3FBC] =	sst s0  }
0x18: {  	s0 =	sld [smem:$0x3F9F];
	_ =	swait.ge [sflag:s4], $0x0  }
0x19: {  	s7 =	sld [smem:$0x3FA0]  }
0x1a: {  	s8 =	sadd.s32 $0xFFFFE003, lr  }
0x1b: {  	s9 =	sadd.s32 $0xFFFFFEF7, lr;
	s5 =	simm.s32 $0xFFFFFFFF;
	p2 =	slt.u32 s8, $0xFFFFF086  }
0x1c: {  	p1 =	slt.u32 s9, $0xF7A;
	s5 =	simm.s32 @!p2 $0x0  }
0x1d: {  	s5 =	simm.s32 @p1 $0x1;
	p0 =	seq.s32 s7, s2  }
0x1e: {  	s7 =	smul.u32 @!p0 $0xF7A, s2;
	p2 =	seq.s32 @!p0 s5, $0x0  }
0x1f: {  	s9 =	smul.u32 $0xF7A, s1;
	s8 =	simm.s32 @!p0 $0x1BF5;
	p2 =	por !p2, p0  }
0x20: {  	[sflag:s8] =	ssyncset.s32 @!p0 $0xFFFFF086;
	s6 =	sadd.s32 @!p0 s3, s7;
	s7 =	simm.s32 @!p0 $0x108  }
0x21: {  	s3 =	sadd.s32 s3, s9;
	s6 =	sadd.s32 @!p0 $0x88, s6;
	s7 =	simm.s32 @p2 $0x1082  }
0x22: {  	[simem:s7], [sflag:s8] =	dma.local @!p0 [hbm:s6], $0xF7A  }
0x23: {  	s9 =	sor.u32 $0xD0000000, s2;
	s6 =	simm.s32 $0x108;
	_ =	swait.ge @!p0 [sflag:s8], $0x0  }
0x24: {  	s3 =	sadd.s32 $0x88, s3;
	s6 =	simm.s32 @!p1 $0x1082;
	[sflag:s4] =	ssyncset.s32 $0xFFFFF086  }
0x25: {  	[simem:s6], [sflag:s4] =	dma.local [hbm:s3], $0xF7A  }
0x26: {  	[smem:$0x3FA0] =	sst s1;
	(tag) =	ssettag s2;
	_ =	strace s9  }
0x27: {  	s1 =	sld [smem:$0x3FB0]  }
0x28: {  	s2 =	sld [smem:$0x3FB1]  }
0x29: {  	s4 =	sld [smem:$0x3FB3]  }
0x2a: {  	p0 =	seq.s32 s5, $0x0;
	s5 =	sld [smem:$0x3FB4]  }
0x2b: {  	s6 =	sld [smem:$0x3FB5]  }
0x2c: {  	s7 =	sld [smem:$0x3FB6]  }
0x2d: {  	s3 =	simm.s32 $0x108;
	s8 =	sld [smem:$0x3FB7]  }
0x2e: {  	s3 =	simm.s32 @!p0 $0x1082;
	s9 =	sld [smem:$0x3FB8]  }
0x2f: {  	lr =	sadd.s32 s0, s3;
	s0 =	sld [smem:$0x3FAF]  }
0x30: {  	s3 =	sld [smem:$0x3FB2]  }
0x31: {  	[smem:$0x3FBB] =	sst s10  }
0x32: {  	s10 =	sld [smem:$0x3FB9];
	_ =	sdelay $0x3  }
0x33: {  	p0 =	seq.s32 s10, $0x1;
	s10 =	sld [smem:$0x3FBB];
	_ =	sdelay $0x3  }
0x34: {  	[smem:$0x3FBB] =	sst s10  }
0x35: {  	s10 =	sld [smem:$0x3FBA];
	_ =	sdelay $0x3  }
0x36: {  	p1 =	seq.s32 s10, $0x1;
	s10 =	sld [smem:$0x3FBB];
	_ =	sdelay $0x3  }
0x37: {  	[smem:$0x3FBB] =	sst s10  }
0x38: {  	s10 =	sld [smem:$0x3FBC]  }
0x39: {  	_ = 	snop;
	(pc) =	sbr.ind lr, $3  }
0x3a: {  	_ = 	snop  }
0x3b: {  	_ = 	snop  }
0x3c: {  	p2 =	seq.s32 s10, $0x1;
	s10 =	sld [smem:$0x3FBB]  }
0x3d: {  	_ =	shalt  }
0x3e: {  	_ =	shalt  }
0x3f: {  	_ =	shalt  }
0x40: {  	_ =	shalt  }
0x41: {  	_ =	shalt  }
0x42: {  	_ =	shalt  }
0x43: {  	_ =	shalt  }
0x44: {  	_ =	shalt  }
0x45: {  	_ =	shalt  }
0x46: {  	_ =	shalt  }
0x47: {  	_ =	shalt  }
0x48: {  	_ =	shalt  }
0x49: {  	_ =	shalt  }
0x4a: {  	_ =	shalt  }
0x4b: {  	_ =	shalt  }
0x4c: {  	_ =	shalt  }
0x4d: {  	_ =	shalt  }
0x4e: {  	_ =	shalt  }
0x4f: {  	_ =	shalt  }
0x50: {  	_ =	shalt  }
0x51: {  	_ =	shalt  }
0x52: {  	_ =	shalt  }
0x53: {  	_ =	shalt  }
0x54: {  	_ =	shalt  }
0x55: {  	_ =	shalt  }
0x56: {  	_ =	shalt  }
0x57: {  	_ =	shalt  }
0x58: {  	_ =	shalt  }
0x59: {  	_ =	shalt  }
0x5a: {  	_ =	shalt  }
0x5b: {  	_ =	shalt  }
0x5c: {  	_ =	shalt  }
0x5d: {  	_ =	shalt  }
0x5e: {  	_ =	shalt  }
0x5f: {  	_ =	shalt  }
0x60: {  	_ =	shalt  }
0x61: {  	_ =	shalt  }
0x62: {  	_ =	shalt  }
0x63: {  	_ =	shalt  }
0x64: {  	_ =	shalt  }
0x65: {  	_ =	shalt  }
0x66: {  	_ =	shalt  }
0x67: {  	_ =	shalt  }
0x68: {  	_ =	shalt  }
0x69: {  	_ =	shalt  }
0x6a: {  	_ =	shalt  }
0x6b: {  	_ =	shalt  }
0x6c: {  	_ =	shalt  }
0x6d: {  	_ =	shalt  }
0x6e: {  	_ =	shalt  }
0x6f: {  	_ =	shalt  }
0x70: {  	_ =	shalt  }
0x71: {  	_ =	shalt  }
0x72: {  	_ =	shalt  }
0x73: {  	_ =	shalt  }
0x74: {  	_ =	shalt  }
0x75: {  	_ =	shalt  }
0x76: {  	_ =	shalt  }
0x77: {  	_ =	shalt  }
0x78: {  	_ =	shalt  }
0x79: {  	_ =	shalt  }
0x7a: {  	_ =	shalt  }
0x7b: {  	_ =	shalt  }
0x7c: {  	_ =	shalt  }
0x7d: {  	_ =	shalt  }
0x7e: {  	_ =	shalt  }
0x7f: {  	_ =	shalt  }
0x80: {  	_ =	shalt  }
0x81: {  	_ =	shalt  }
0x82: {  	_ =	shalt  }
0x83: {  	_ =	shalt  }
0x84: {  	_ =	shalt  }
0x85: {  	_ =	shalt  }
0x86: {  	_ =	shalt  }
0x87: {  	_ =	shalt  }
.Lfunc_end0:
.L_simem_size_0:
called_computation_lowered:
.L_overlay_start_0:
0x88: {  	s2 =	sld [smem:$0x3FD9]  }
0x89: {  	s3 =	sld [smem:$0x3FFE];
	_ =	sdelay $0x1  }
0x8a: {  	s1 =	srdreg.scid  }
0x8b: {  	s0 =	sand.u32 $0x1, s1  }
0x8c: {  	s16 =	sshll.u32 s0, $0xA;
	s2 =	sadd.s32 s3, s2  }
0x8d: {  	s2 =	sadd.s32 s2, s16  }
0x8e: {  	[smem:$0x3FC7] =	sst s2  }
0x8f: {  	_ = 	snop  }
0x90: {  	(tm) =	ssettm $0x1  }
0x91: {  	s17 =	sld [smem:$0x3FFB];
	_ =	sdelay $0x3  }
0x92: {  	_ =	strace s17  }
0x93: {  	s2 =	sld [smem:$0x3FFC];
	_ =	sdelay $0x3  }
0x94: {  	_ =	strace s2  }
0x95: {  	s2 =	sld [smem:$0x3FFD];
	_ =	sdelay $0x3  }
0x96: {  	_ =	strace s2  }
0x97: {  	_ =	strace $0x8FFFFFFF  }
0x98: {  	s18 =	sld [smem:$0x3FDB];
	_ =	sdelay $0x1  }
0x99: {  	s19 =	simm.s32 $_scs_section_size  }
0x9a: {  	s4 =	simm.s32 $_size__tile_overlayer_lowered;
	s5 =	simm.s32 $_tile_overlayer_lowered  }
0x9b: {  	s22 =	simm.s32 $0x1BFF;
	s21 =	sshll.u32 s5, $0x1;
	s2 =	sadd.s32 s19, s18  }
0x9c: {  	s6 =	simm.s32 $0x0;
	s20 =	sshll.u32 s4, $0x1;
	s4 =	sadd.s32 s21, s2  }
0x9d: {  	[timem:s6], [sflag:s22] =	dma.local [hbm:s4], s20  }
0x9e: {  	_ =	swait.ge [sflag:s22], s20  }
0x9f: {  	s3 =	ssub.s32 $0x0, s20;
	[sflag:s22] =	ssyncset.done $0x0  }
0xa0: {  	[sflag:s22] =	ssyncadd.s32 s3;
	_ =	sdelay $0x1  }
0xa1: {  	s23 =	simm.s32 $0x1B8B  }
0xa2: {  	_ =	swait.ge [sflag:s23], $0x1  }
0xa3: {  	[sflag:s23] =	ssyncset.done $0x0  }
0xa4: {  	s25 =	simm.s32 $0x1B8E;
	s24 =	sld [smem:$0x3FFE];
	[sflag:s23] =	ssyncadd.s32 $0xFFFFFFFF  }
0xa5: {  	s26 =	simm.s32 $execute0_lowered;
	[smem:$0x3FD2] =	sst s25  }
0xa6: {  	s4 =	sshll.u32 s26, $0x1;
	_ =	strace $0x80000046;
	[dreg:$0x1] =	wrdreg $0xFFFFFFFF  }
0xa7: {  	s28 =	simm.s32 $_size_execute0_lowered;
	s2 =	sadd.s32 s2, s4;
	[dreg:$0x0] =	wrdreg $0x0  }
0xa8: {  	s4 =	sshll.u32 s28, $0x1;
	[dreg:$0x2] =	wrdreg s2  }
0xa9: {  	[dreg:$0x3] =	wrdreg s4  }
0xaa: {  	[dreg:$0x4] =	wrdreg $0xC0  }
0xab: {  	_ =	task [dreg:s6], $0x5FFFF  }
0xac: {  	[dreg:$0x1] =	wrdreg $0xFFFFFFFF  }
0xad: {  	[dreg:$0x0] =	wrdreg $0x60  }
0xae: {  	[dreg:$0x2] =	wrdreg s24  }
0xaf: {  	[dreg:$0x3] =	wrdreg $0xB000  }
0xb0: {  	[dreg:$0x4] =	wrdreg $0x9  }
0xb1: {  	_ =	task.clear_ibuf [dreg:s6], $0x5FFFF;
	_ =	strace $0x90000046  }
0xb2: {  	s29 =	simm.s32 $0x9;
	_ =	strace $0x80000048  }
0xb3: {  	_ =	swait.ge [sflag:s29], $0x1  }
0xb4: {  	[sflag:s29] =	ssyncadd.s32 $0xFFFFFFFF  }
0xb5: {  	_ =	strace $0x90000048  }
0xb6: {  	_ =	sfence  }
0xb7: {  	s30 =	sld [smem:$0x0];
	_ =	sdelay $0x2  }
0xb8: {  	s31 =	sshll.u32 s1, $0xD;
	s1 =	sshrl.u32 s1, $0x2  }
0xb9: {  	s3 =	sand.u32 $0x4000, s31;
	s1 =	sadd.s32 s1, s30  }
0xba: {  	s0 =	sor.u32 s3, s0;
	s1 =	sshll.u32 s1, $0x11  }
0xbb: {  	s0 =	sor.u32 s1, s0  }
0xbc: {  	s0 =	sadd.s32 $0x8F2B, s0  }
0xbd: {  	[sflag:s0] =	ssyncadd.remote.s32 $0x1  }
0xbe: {  	_ =	sfence.sel $0xFFFF  }
0xbf: {  	[dreg:$0x0] =	wrdreg $0xFFFFFFFF;
	(pc) =	sbr.abs _section_cstart, $3  }
0xc0: {  	[dreg:$0x1] =	wrdreg $0xFFFFFFFF  }
0xc1: {  	_ =	task.clear_ibuf [dreg:s6], $0x2FFFF;
	_ =	strace $0x9FFFFFFF  }
0xc2: {  	(tm) =	ssettm $0x7FFFFFFF  }
0xc3: {  	_ =	shalt  }
tec
execute0_lowered:
.L_overlay_start_1:
0x0: {  	(tag) =	ssettag $0x1  }
0x1: {  	s3 =	rddreg [dreg:$0x0]  }
0x2: {  	s5 =	rddreg [dreg:$0x1]  }
0x3: {  	s0 =	rddreg [dreg:$0x2];
	s4 =	srdreg.scid;
	s2 =	simm.s32 $0x0  }
0x4: {  	s1 =	stileid.u32;
	s13 =	simm.s32 $0xA00;
	s4 =	sand.u32 $0x1, s4  }
0x5: {  	s8 =	sshrl.u32 s1, $0x3;
	s7 =	sand.u32 $0x7, s1;
	[smem:$0x7FF] =	sst s2  }
0x6: {  	s30 =	sshll.u32 s1, $0x8;
	s11 =	sshll.u32 s1, $0x7;
	s6 =	sshll.u32 s4, $0x3  }
0x7: {  	s9 =	sshll.u32 s8, $0x8;
	_ =	strace $0x80000047;
	s29 =	ssub.s32 $0x2, s4  }
0x8: {  	s4 =	sand.u32 $0x800, s30;
	s12 =	sand.u32 $0x380, s11;
	p0 =	seq.s32 s8, $0x0  }
0x9: {  	s8 =	simm.s32 $0x1;
	s6 =	sor.u32 s7, s6;
	s26 =	sadd.s32 s9, s3  }
0xa: {  	s10 =	sshrl.u32 s29, $0x1;
	s4 =	sadd.s32 s4, s5;
	s5 =	sadd.s32 s11, s5  }
.Ltmp0:
0xb: {  	s11 =	simm.s32 $0x400;
	s28 =	sshll.u32 s6, $0x5;
	(pc) =	sbr.rel .LBB2_1-.Ltmp0, $4  }
0xc: {  	s6 =	sshll.u32 s6, $0x9;
	s10 =	ssub.s32 s29, s10;
	s4 =	sadd.s32 s12, s4  }
0xd: {  	s12 =	simm.s32 $0x900;
	s9 =	sadd.s32 s28, s3;
	s31 =	sadd.s32 s6, s26  }
0xe: {  	s4 =	sadd.s32 $0xFFFFF800, s4;
	s7 =	smax.u32 s10, $0x1;
	s10 =	simm.s32 $0x80  }
0xf: {  	v0 =	vimm.s32 $0x0;
	v1 =	vimm.s32 $0x1;
	s3 =	sadd.s32 $0x600, s31;
	s6 =	sadd.s32 $0x2600, s9;
	s9 =	simm.s32 $0x800  }
.LBB2_3:
0x10: {  	[bflag:$0x0] =	sbarrier.arrive $0xFFFF  }
0x11: {  	[tilespmem:s12], [sflag:$0x1] =	stream.strided.gather [spmem:s5], $0x100, s11, s10, $0x38;
	[tilespmem:$0xB80] =	vst v63  }
0x12: {  	_ =	swait.ge [sflag:s8], $0x100  }
0x13: {  	[sflag:s8] =	ssyncset.done $0x0  }
0x14: {  	[sflag:s8] =	ssyncadd.s32 $0xFFFFFF00  }
0x15: {  	v2 =	vld [tilespmem:$0x800]  }
0x16: {  	v3 =	vld [tilespmem:$0x900]  }
0x17: {  	v4 =	vld [tilespmem:$0x810]  }
0x18: {  	v5 =	vld [tilespmem:$0x910]  }
0x19: {  	v6 =	vld [tilespmem:$0x820]  }
0x1a: {  	v7 =	vld [tilespmem:$0x920]  }
0x1b: {  	v8 =	vld [tilespmem:$0x830]  }
0x1c: {  	v9 =	vld [tilespmem:$0x930]  }
0x1d: {  	v10 =	vld [tilespmem:$0x840]  }
0x1e: {  	v11 =	vld [tilespmem:$0x940]  }
0x1f: {  	v12 =	vld [tilespmem:$0x850]  }
0x20: {  	v13 =	vld [tilespmem:$0x950]  }
0x21: {  	v14 =	vld [tilespmem:$0x860]  }
0x22: {  	v15 =	vld [tilespmem:$0x960]  }
0x23: {  	v16 =	vld [tilespmem:$0x870]  }
0x24: {  	v17 =	vld [tilespmem:$0x970]  }
0x25: {  	v18 =	vld [tilespmem:$0x880]  }
0x26: {  	v19 =	vld [tilespmem:$0x980]  }
0x27: {  	v20 =	vld [tilespmem:$0x890]  }
0x28: {  	v21 =	vld [tilespmem:$0x990]  }
0x29: {  	v22 =	vld [tilespmem:$0x8A0]  }
0x2a: {  	v23 =	vld [tilespmem:$0x9A0]  }
0x2b: {  	v39 =	vld [tilespmem:$0x8B0];
	v2 =	vadd.s32 v2, v3;
	v3 =	vadd.s32 v4, v5  }
0x2c: {  	v40 =	vld [tilespmem:$0x9B0];
	v6 =	vadd.s32 v6, v7;
	v5 =	vadd.s32 v2, v3  }
0x2d: {  	v41 =	vld [tilespmem:$0x8C0];
	v8 =	vadd.s32 v8, v9;
	v5 =	vadd.s32 v6, v5  }
0x2e: {  	v42 =	vld [tilespmem:$0x9C0];
	v10 =	vadd.s32 v10, v11;
	v5 =	vadd.s32 v8, v5  }
0x2f: {  	v43 =	vld [tilespmem:$0x8D0];
	v12 =	vadd.s32 v12, v13;
	v5 =	vadd.s32 v10, v5  }
0x30: {  	v44 =	vld [tilespmem:$0x9D0];
	v14 =	vadd.s32 v14, v15;
	v5 =	vadd.s32 v12, v5  }
0x31: {  	v45 =	vld [tilespmem:$0x8E0];
	v16 =	vadd.s32 v16, v17;
	v5 =	vadd.s32 v14, v5  }
0x32: {  	v46 =	vld [tilespmem:$0x9E0];
	v18 =	vadd.s32 v18, v19;
	v5 =	vadd.s32 v16, v5  }
0x33: {  	v47 =	vld [tilespmem:$0x8F0];
	v20 =	vadd.s32 v20, v21;
	v5 =	vadd.s32 v18, v5  }
0x34: {  	v48 =	vld [tilespmem:$0x9F0];
	v22 =	vadd.s32 v22, v23;
	v5 =	vadd.s32 v20, v5  }
0x35: {  	v4 =	vadd.s32 v39, v40;
	v5 =	vadd.s32 v22, v5  }
0x36: {  	v49 =	vadd.s32 v41, v42;
	v5 =	vadd.s32 v4, v5  }
0x37: {  	v50 =	vadd.s32 v43, v44;
	v5 =	vadd.s32 v49, v5  }
0x38: {  	v51 =	vadd.s32 v45, v46;
	v5 =	vadd.s32 v50, v5  }
0x39: {  	v52 =	vadd.s32 v47, v48;
	v5 =	vadd.s32 v51, v5  }
0x3a: {  	v5 =	vadd.s32 v52, v5  }
0x3b: {  	(xrf0) =	vadd.scan.msk.s32 $0xffff, v5;
	_ =	sdelay $0x5  }
0x3c: {  	v5, _, _ =	vpop (xrf0)  }
0x3d: {  	v5 =	vcvt.s32.f32 v5;
	_ =	sdelay $0x1  }
0x3e: {  	v5 =	vbroadcast v5, $0xF;
	_ =	sdelay $0x1  }
0x3f: {  	(erf) = vrcp.f32 v5;
	_ =	sdelay $0x7  }
0x40: {  	v2 =	vcvt.s32.f32 v2  }
0x41: {  	v3 =	vcvt.s32.f32 v3;
	v5 =	vpop (erf)  }
0x42: {  	v6 =	vcvt.s32.f32 v6;
	v2 =	vmul.f32 v2, v5  }
0x43: {  	v8 =	vcvt.s32.f32 v8;
	v3 =	vmul.f32 v3, v5  }
0x44: {  	v53 =	vcvt.s32.f32 v10;
	[tilespmem:$0xA00] =	vst v2;
	v2 =	vmul.f32 v6, v5  }
0x45: {  	v54 =	vcvt.s32.f32 v12;
	[tilespmem:$0xA10] =	vst v3;
	v3 =	vmul.f32 v8, v5  }
0x46: {  	v55 =	vcvt.s32.f32 v14;
	[tilespmem:$0xA20] =	vst v2;
	v2 =	vmul.f32 v53, v5  }
0x47: {  	v56 =	vcvt.s32.f32 v16;
	[tilespmem:$0xA30] =	vst v3;
	v3 =	vmul.f32 v54, v5  }
0x48: {  	v57 =	vcvt.s32.f32 v18;
	[tilespmem:$0xA40] =	vst v2;
	v2 =	vmul.f32 v55, v5  }
0x49: {  	v58 =	vcvt.s32.f32 v20;
	[tilespmem:$0xA50] =	vst v3;
	v3 =	vmul.f32 v56, v5  }
0x4a: {  	v59 =	vcvt.s32.f32 v22;
	[tilespmem:$0xA60] =	vst v2;
	v2 =	vmul.f32 v57, v5  }
0x4b: {  	v4 =	vcvt.s32.f32 v4;
	[tilespmem:$0xA70] =	vst v3;
	v3 =	vmul.f32 v58, v5  }
0x4c: {  	v60 =	vcvt.s32.f32 v49;
	[tilespmem:$0xA80] =	vst v2;
	v2 =	vmul.f32 v59, v5  }
0x4d: {  	v61 =	vcvt.s32.f32 v50;
	[tilespmem:$0xA90] =	vst v3;
	v3 =	vmul.f32 v4, v5  }
0x4e: {  	v62 =	vcvt.s32.f32 v51;
	[tilespmem:$0xAA0] =	vst v2;
	v2 =	vmul.f32 v60, v5  }
0x4f: {  	v63 =	vcvt.s32.f32 v52;
	[tilespmem:$0xAB0] =	vst v3;
	v3 =	vmul.f32 v61, v5  }
0x50: {  	[tilespmem:$0xAC0] =	vst v2;
	v2 =	vmul.f32 v62, v5  }
0x51: {  	[tilespmem:$0xAD0] =	vst v3;
	v3 =	vmul.f32 v63, v5  }
0x52: {  	[tilespmem:$0xAE0] =	vst v2  }
0x53: {  	[tilespmem:$0xAF0] =	vst v3  }
0x54: {  	[hbm4b:s6+s2] =	stream.linear.scatter [tilespmem:s13], [sflag:$0x1], $0x100, $0x38;
	[tilespmem:$0xB80] =	vst v63  }
0x55: {  	_ =	swait.ge [sflag:s8], $0x100  }
0x56: {  	[sflag:s8] =	ssyncset.done $0x0  }
0x57: {  	[sflag:s8] =	ssyncadd.s32 $0xFFFFFF00  }
.LBB2_4:
0x58: {  	s7 =	sadd.s32 $0xFFFFFFFF, s7  }
0x59: {  	p1 =	sne.s32 s7, $0x0  }
.Ltmp1:
0x5a: {  	_ = 	snop;
	(pc) =	sbr.rel @!p1 .LBB2_5-.Ltmp1, $1  }
0x5b: {  	_ =	sdelay $0x3  }
.LBB2_1:
0x5c: {  	[tilespmem:s2], [sflag:$0x1] =	stream.linear.gather [hbm4b:s3+s2], $0x800, $0x38;
	[tilespmem:$0xB80] =	vst v63  }
0x5d: {  	_ =	swait.ge [sflag:s8], $0x800  }
0x5e: {  	[sflag:s8] =	ssyncset.done $0x0  }
0x5f: {  	[sflag:s8] =	ssyncadd.s32 $0xFFFFF800  }
0x60: {  	[tilespmem:$0x800] =	vst v0  }
0x61: {  	[tilespmem:$0x810] =	vst v0  }
0x62: {  	[tilespmem:$0x820] =	vst v0  }
0x63: {  	[tilespmem:$0x830] =	vst v0  }
0x64: {  	[tilespmem:$0x840] =	vst v0  }
0x65: {  	[tilespmem:$0x850] =	vst v0;
	v2 =	vld [tilespmem:$0x0]  }
0x66: {  	[tilespmem:$0x860] =	vst v0  }
0x67: {  	[tilespmem:$0x870] =	vst v0  }
0x68: {  	[tilespmem:$0x880] =	vst v0  }
0x69: {  	[tilespmem:$0x890] =	vst v0  }
0x6a: {  	[tilespmem:$0x8A0] =	vst v0;
	vm0 =	vlt.s32 v2, $0x100  }
0x6b: {  	[tilespmem:$0x8B0] =	vst v0  }
0x6c: {  	[tilespmem:$0x8C0] =	vst v0  }
0x6d: {  	[tilespmem:$0x8D0] =	vst v0  }
0x6e: {  	[tilespmem:$0x8E0] =	vst v0  }
0x6f: {  	[tilespmem:$0x8F0] =	vst v0  }
0x70: {  	[tilespmem:v2+s9+$0x0] =	vst.idx.add.s32.msk vm0, v1  }
0x71: {  	v2 =	vld [tilespmem:$0x10];
	_ =	sdelay $0x4  }
0x72: {  	vm9 =	vlt.s32 v2, $0x100;
	_ =	sdelay $0x5  }
0x73: {  	[tilespmem:v2+s9+$0x0] =	vst.idx.add.s32.msk vm9, v1  }
0x74: {  	v2 =	vld [tilespmem:$0x20];
	_ =	sdelay $0x4  }
0x75: {  	vm10 =	vlt.s32 v2, $0x100;
	_ =	sdelay $0x5  }
0x76: {  	[tilespmem:v2+s9+$0x0] =	vst.idx.add.s32.msk vm10, v1  }
0x77: {  	v2 =	vld [tilespmem:$0x30];
	_ =	sdelay $0x4  }
0x78: {  	vm11 =	vlt.s32 v2, $0x100;
	_ =	sdelay $0x5  }
0x79: {  	[tilespmem:v2+s9+$0x0] =	vst.idx.add.s32.msk vm11, v1  }
0x7a: {  	v2 =	vld [tilespmem:$0x40];
	_ =	sdelay $0x4  }
0x7b: {  	vm12 =	vlt.s32 v2, $0x100;
	_ =	sdelay $0x5  }
0x7c: {  	[tilespmem:v2+s9+$0x0] =	vst.idx.add.s32.msk vm12, v1  }
0x7d: {  	v2 =	vld [tilespmem:$0x50];
	_ =	sdelay $0x4  }
0x7e: {  	vm13 =	vlt.s32 v2, $0x100;
	_ =	sdelay $0x5  }
0x7f: {  	[tilespmem:v2+s9+$0x0] =	vst.idx.add.s32.msk vm13, v1  }
0x80: {  	v2 =	vld [tilespmem:$0x60];
	_ =	sdelay $0x4  }
0x81: {  	vm14 =	vlt.s32 v2, $0x100;
	_ =	sdelay $0x5  }
0x82: {  	[tilespmem:v2+s9+$0x0] =	vst.idx.add.s32.msk vm14, v1  }
0x83: {  	v2 =	vld [tilespmem:$0x70];
	_ =	sdelay $0x4  }
0x84: {  	vm15 =	vlt.s32 v2, $0x100;
	_ =	sdelay $0x5  }
0x85: {  	[tilespmem:v2+s9+$0x0] =	vst.idx.add.s32.msk vm15, v1  }
0x86: {  	v2 =	vld [tilespmem:$0x80];
	_ =	sdelay $0x4  }
0x87: {  	vm4 =	vlt.s32 v2, $0x100;
	_ =	sdelay $0x5  }
0x88: {  	[tilespmem:v2+s9+$0x0] =	vst.idx.add.s32.msk vm4, v1  }
0x89: {  	v2 =	vld [tilespmem:$0x90];
	_ =	sdelay $0x4  }
0x8a: {  	vm5 =	vlt.s32 v2, $0x100;
	_ =	sdelay $0x5  }
0x8b: {  	[tilespmem:v2+s9+$0x0] =	vst.idx.add.s32.msk vm5, v1  }
0x8c: {  	v2 =	vld [tilespmem:$0xA0];
	_ =	sdelay $0x4  }
0x8d: {  	vm6 =	vlt.s32 v2, $0x100;
	_ =	sdelay $0x5  }
0x8e: {  	[tilespmem:v2+s9+$0x0] =	vst.idx.add.s32.msk vm6, v1  }
0x8f: {  	v2 =	vld [tilespmem:$0xB0];
	_ =	sdelay $0x4  }
0x90: {  	vm7 =	vlt.s32 v2, $0x100;
	_ =	sdelay $0x5  }
0x91: {  	[tilespmem:v2+s9+$0x0] =	vst.idx.add.s32.msk vm7, v1  }
0x92: {  	v2 =	vld [tilespmem:$0xC0];
	_ =	sdelay $0x4  }
0x93: {  	vm8 =	vlt.s32 v2, $0x100;
	_ =	sdelay $0x5  }
0x94: {  	[tilespmem:v2+s9+$0x0] =	vst.idx.add.s32.msk vm8, v1  }
0x95: {  	v2 =	vld [tilespmem:$0xD0];
	_ =	sdelay $0x4  }
0x96: {  	vm9 =	vlt.s32 v2, $0x100;
	_ =	sdelay $0x5  }
0x97: {  	[tilespmem:v2+s9+$0x0] =	vst.idx.add.s32.msk vm9, v1  }
0x98: {  	v2 =	vld [tilespmem:$0xE0];
	_ =	sdelay $0x4  }
0x99: {  	vm10 =	vlt.s32 v2, $0x100;
	_ =	sdelay $0x5  }
0x9a: {  	[tilespmem:v2+s9+$0x0] =	vst.idx.add.s32.msk vm10, v1  }
0x9b: {  	v2 =	vld [tilespmem:$0xF0];
	_ =	sdelay $0x4  }
0x9c: {  	vm11 =	vlt.s32 v2, $0x100;
	_ =	sdelay $0x5  }
0x9d: {  	[tilespmem:v2+s9+$0x0] =	vst.idx.add.s32.msk vm11, v1  }
0x9e: {  	v2 =	vld [tilespmem:$0x100];
	_ =	sdelay $0x4  }
0x9f: {  	vm12 =	vlt.s32 v2, $0x100;
	_ =	sdelay $0x5  }
0xa0: {  	[tilespmem:v2+s9+$0x0] =	vst.idx.add.s32.msk vm12, v1  }
0xa1: {  	v2 =	vld [tilespmem:$0x110];
	_ =	sdelay $0x4  }
0xa2: {  	vm13 =	vlt.s32 v2, $0x100;
	_ =	sdelay $0x5  }
0xa3: {  	[tilespmem:v2+s9+$0x0] =	vst.idx.add.s32.msk vm13, v1  }
0xa4: {  	v2 =	vld [tilespmem:$0x120];
	_ =	sdelay $0x4  }
0xa5: {  	vm14 =	vlt.s32 v2, $0x100;
	_ =	sdelay $0x5  }
0xa6: {  	[tilespmem:v2+s9+$0x0] =	vst.idx.add.s32.msk vm14, v1  }
0xa7: {  	v2 =	vld [tilespmem:$0x130];
	_ =	sdelay $0x4  }
0xa8: {  	vm15 =	vlt.s32 v2, $0x100;
	_ =	sdelay $0x5  }
0xa9: {  	[tilespmem:v2+s9+$0x0] =	vst.idx.add.s32.msk vm15, v1  }
0xaa: {  	v2 =	vld [tilespmem:$0x140];
	_ =	sdelay $0x4  }
0xab: {  	vm4 =	vlt.s32 v2, $0x100;
	_ =	sdelay $0x5  }
0xac: {  	[tilespmem:v2+s9+$0x0] =	vst.idx.add.s32.msk vm4, v1  }
0xad: {  	v2 =	vld [tilespmem:$0x150];
	_ =	sdelay $0x4  }
0xae: {  	vm5 =	vlt.s32 v2, $0x100;
	_ =	sdelay $0x5  }
0xaf: {  	[tilespmem:v2+s9+$0x0] =	vst.idx.add.s32.msk vm5, v1  }
0xb0: {  	v2 =	vld [tilespmem:$0x160];
	_ =	sdelay $0x4  }
0xb1: {  	vm6 =	vlt.s32 v2, $0x100;
	_ =	sdelay $0x5  }
0xb2: {  	[tilespmem:v2+s9+$0x0] =	vst.idx.add.s32.msk vm6, v1  }
0xb3: {  	v2 =	vld [tilespmem:$0x170];
	_ =	sdelay $0x4  }
0xb4: {  	vm7 =	vlt.s32 v2, $0x100;
	_ =	sdelay $0x5  }
0xb5: {  	[tilespmem:v2+s9+$0x0] =	vst.idx.add.s32.msk vm7, v1  }
0xb6: {  	v2 =	vld [tilespmem:$0x180];
	_ =	sdelay $0x4  }
0xb7: {  	vm8 =	vlt.s32 v2, $0x100;
	_ =	sdelay $0x5  }
0xb8: {  	[tilespmem:v2+s9+$0x0] =	vst.idx.add.s32.msk vm8, v1  }
0xb9: {  	v2 =	vld [tilespmem:$0x190];
	_ =	sdelay $0x4  }
0xba: {  	vm9 =	vlt.s32 v2, $0x100;
	_ =	sdelay $0x5  }
0xbb: {  	[tilespmem:v2+s9+$0x0] =	vst.idx.add.s32.msk vm9, v1  }
0xbc: {  	v2 =	vld [tilespmem:$0x1A0];
	_ =	sdelay $0x4  }
0xbd: {  	vm10 =	vlt.s32 v2, $0x100;
	_ =	sdelay $0x5  }
0xbe: {  	[tilespmem:v2+s9+$0x0] =	vst.idx.add.s32.msk vm10, v1  }
0xbf: {  	v2 =	vld [tilespmem:$0x1B0];
	_ =	sdelay $0x4  }
0xc0: {  	vm11 =	vlt.s32 v2, $0x100;
	_ =	sdelay $0x5  }
0xc1: {  	[tilespmem:v2+s9+$0x0] =	vst.idx.add.s32.msk vm11, v1  }
0xc2: {  	v2 =	vld [tilespmem:$0x1C0];
	_ =	sdelay $0x4  }
0xc3: {  	vm12 =	vlt.s32 v2, $0x100;
	_ =	sdelay $0x5  }
0xc4: {  	[tilespmem:v2+s9+$0x0] =	vst.idx.add.s32.msk vm12, v1  }
0xc5: {  	v2 =	vld [tilespmem:$0x1D0];
	_ =	sdelay $0x4  }
0xc6: {  	vm13 =	vlt.s32 v2, $0x100;
	_ =	sdelay $0x5  }
0xc7: {  	[tilespmem:v2+s9+$0x0] =	vst.idx.add.s32.msk vm13, v1  }
0xc8: {  	v2 =	vld [tilespmem:$0x1E0];
	_ =	sdelay $0x4  }
0xc9: {  	vm14 =	vlt.s32 v2, $0x100;
	_ =	sdelay $0x5  }
0xca: {  	[tilespmem:v2+s9+$0x0] =	vst.idx.add.s32.msk vm14, v1  }
0xcb: {  	v2 =	vld [tilespmem:$0x1F0];
	_ =	sdelay $0x4  }
0xcc: {  	vm15 =	vlt.s32 v2, $0x100;
	_ =	sdelay $0x5  }
0xcd: {  	[tilespmem:v2+s9+$0x0] =	vst.idx.add.s32.msk vm15, v1  }
0xce: {  	v2 =	vld [tilespmem:$0x200];
	_ =	sdelay $0x4  }
0xcf: {  	vm4 =	vlt.s32 v2, $0x100;
	_ =	sdelay $0x5  }
0xd0: {  	[tilespmem:v2+s9+$0x0] =	vst.idx.add.s32.msk vm4, v1  }
0xd1: {  	v2 =	vld [tilespmem:$0x210];
	_ =	sdelay $0x4  }
0xd2: {  	vm5 =	vlt.s32 v2, $0x100;
	_ =	sdelay $0x5  }
0xd3: {  	[tilespmem:v2+s9+$0x0] =	vst.idx.add.s32.msk vm5, v1  }
0xd4: {  	v2 =	vld [tilespmem:$0x220];
	_ =	sdelay $0x4  }
0xd5: {  	vm6 =	vlt.s32 v2, $0x100;
	_ =	sdelay $0x5  }
0xd6: {  	[tilespmem:v2+s9+$0x0] =	vst.idx.add.s32.msk vm6, v1  }
0xd7: {  	v2 =	vld [tilespmem:$0x230];
	_ =	sdelay $0x4  }
0xd8: {  	vm7 =	vlt.s32 v2, $0x100;
	_ =	sdelay $0x5  }
0xd9: {  	[tilespmem:v2+s9+$0x0] =	vst.idx.add.s32.msk vm7, v1  }
0xda: {  	v2 =	vld [tilespmem:$0x240];
	_ =	sdelay $0x4  }
0xdb: {  	vm8 =	vlt.s32 v2, $0x100;
	_ =	sdelay $0x5  }
0xdc: {  	[tilespmem:v2+s9+$0x0] =	vst.idx.add.s32.msk vm8, v1  }
0xdd: {  	v2 =	vld [tilespmem:$0x250];
	_ =	sdelay $0x4  }
0xde: {  	vm9 =	vlt.s32 v2, $0x100;
	_ =	sdelay $0x5  }
0xdf: {  	[tilespmem:v2+s9+$0x0] =	vst.idx.add.s32.msk vm9, v1  }
0xe0: {  	v2 =	vld [tilespmem:$0x260];
	_ =	sdelay $0x4  }
0xe1: {  	vm10 =	vlt.s32 v2, $0x100;
	_ =	sdelay $0x5  }
0xe2: {  	[tilespmem:v2+s9+$0x0] =	vst.idx.add.s32.msk vm10, v1  }
0xe3: {  	v2 =	vld [tilespmem:$0x270];
	_ =	sdelay $0x4  }
0xe4: {  	vm11 =	vlt.s32 v2, $0x100;
	_ =	sdelay $0x5  }
0xe5: {  	[tilespmem:v2+s9+$0x0] =	vst.idx.add.s32.msk vm11, v1  }
0xe6: {  	v2 =	vld [tilespmem:$0x280];
	_ =	sdelay $0x4  }
0xe7: {  	vm12 =	vlt.s32 v2, $0x100;
	_ =	sdelay $0x5  }
0xe8: {  	[tilespmem:v2+s9+$0x0] =	vst.idx.add.s32.msk vm12, v1  }
0xe9: {  	v2 =	vld [tilespmem:$0x290];
	_ =	sdelay $0x4  }
0xea: {  	vm13 =	vlt.s32 v2, $0x100;
	_ =	sdelay $0x5  }
0xeb: {  	[tilespmem:v2+s9+$0x0] =	vst.idx.add.s32.msk vm13, v1  }
0xec: {  	v2 =	vld [tilespmem:$0x2A0];
	_ =	sdelay $0x4  }
0xed: {  	vm14 =	vlt.s32 v2, $0x100;
	_ =	sdelay $0x5  }
0xee: {  	[tilespmem:v2+s9+$0x0] =	vst.idx.add.s32.msk vm14, v1  }
0xef: {  	v2 =	vld [tilespmem:$0x2B0];
	_ =	sdelay $0x4  }
0xf0: {  	vm15 =	vlt.s32 v2, $0x100;
	_ =	sdelay $0x5  }
0xf1: {  	[tilespmem:v2+s9+$0x0] =	vst.idx.add.s32.msk vm15, v1  }
0xf2: {  	v2 =	vld [tilespmem:$0x2C0];
	_ =	sdelay $0x4  }
0xf3: {  	vm4 =	vlt.s32 v2, $0x100;
	_ =	sdelay $0x5  }
0xf4: {  	[tilespmem:v2+s9+$0x0] =	vst.idx.add.s32.msk vm4, v1  }
0xf5: {  	v2 =	vld [tilespmem:$0x2D0];
	_ =	sdelay $0x4  }
0xf6: {  	vm5 =	vlt.s32 v2, $0x100;
	_ =	sdelay $0x5  }
0xf7: {  	[tilespmem:v2+s9+$0x0] =	vst.idx.add.s32.msk vm5, v1  }
0xf8: {  	v2 =	vld [tilespmem:$0x2E0];
	_ =	sdelay $0x4  }
0xf9: {  	vm6 =	vlt.s32 v2, $0x100;
	_ =	sdelay $0x5  }
0xfa: {  	[tilespmem:v2+s9+$0x0] =	vst.idx.add.s32.msk vm6, v1  }
0xfb: {  	v2 =	vld [tilespmem:$0x2F0];
	_ =	sdelay $0x4  }
0xfc: {  	vm7 =	vlt.s32 v2, $0x100;
	_ =	sdelay $0x5  }
0xfd: {  	[tilespmem:v2+s9+$0x0] =	vst.idx.add.s32.msk vm7, v1  }
0xfe: {  	v2 =	vld [tilespmem:$0x300];
	_ =	sdelay $0x4  }
0xff: {  	vm8 =	vlt.s32 v2, $0x100;
	_ =	sdelay $0x5  }
0x100: {  	[tilespmem:v2+s9+$0x0] =	vst.idx.add.s32.msk vm8, v1  }
0x101: {  	v2 =	vld [tilespmem:$0x310];
	_ =	sdelay $0x4  }
0x102: {  	vm9 =	vlt.s32 v2, $0x100;
	_ =	sdelay $0x5  }
0x103: {  	[tilespmem:v2+s9+$0x0] =	vst.idx.add.s32.msk vm9, v1  }
0x104: {  	v2 =	vld [tilespmem:$0x320];
	_ =	sdelay $0x4  }
0x105: {  	vm10 =	vlt.s32 v2, $0x100;
	_ =	sdelay $0x5  }
0x106: {  	[tilespmem:v2+s9+$0x0] =	vst.idx.add.s32.msk vm10, v1  }
0x107: {  	v2 =	vld [tilespmem:$0x330];
	_ =	sdelay $0x4  }
0x108: {  	vm11 =	vlt.s32 v2, $0x100;
	_ =	sdelay $0x5  }
0x109: {  	[tilespmem:v2+s9+$0x0] =	vst.idx.add.s32.msk vm11, v1  }
0x10a: {  	v2 =	vld [tilespmem:$0x340];
	_ =	sdelay $0x4  }
0x10b: {  	vm12 =	vlt.s32 v2, $0x100;
	_ =	sdelay $0x5  }
0x10c: {  	[tilespmem:v2+s9+$0x0] =	vst.idx.add.s32.msk vm12, v1  }
0x10d: {  	v2 =	vld [tilespmem:$0x350];
	_ =	sdelay $0x4  }
0x10e: {  	vm13 =	vlt.s32 v2, $0x100;
	_ =	sdelay $0x5  }
0x10f: {  	[tilespmem:v2+s9+$0x0] =	vst.idx.add.s32.msk vm13, v1  }
0x110: {  	v2 =	vld [tilespmem:$0x360];
	_ =	sdelay $0x4  }
0x111: {  	vm14 =	vlt.s32 v2, $0x100;
	_ =	sdelay $0x5  }
0x112: {  	[tilespmem:v2+s9+$0x0] =	vst.idx.add.s32.msk vm14, v1  }
0x113: {  	v2 =	vld [tilespmem:$0x370];
	_ =	sdelay $0x4  }
0x114: {  	vm15 =	vlt.s32 v2, $0x100;
	_ =	sdelay $0x5  }
0x115: {  	[tilespmem:v2+s9+$0x0] =	vst.idx.add.s32.msk vm15, v1  }
0x116: {  	v2 =	vld [tilespmem:$0x380];
	_ =	sdelay $0x4  }
0x117: {  	vm4 =	vlt.s32 v2, $0x100;
	_ =	sdelay $0x5  }
0x118: {  	[tilespmem:v2+s9+$0x0] =	vst.idx.add.s32.msk vm4, v1  }
0x119: {  	v2 =	vld [tilespmem:$0x390];
	_ =	sdelay $0x4  }
0x11a: {  	vm5 =	vlt.s32 v2, $0x100;
	_ =	sdelay $0x5  }
0x11b: {  	[tilespmem:v2+s9+$0x0] =	vst.idx.add.s32.msk vm5, v1  }
0x11c: {  	v2 =	vld [tilespmem:$0x3A0];
	_ =	sdelay $0x4  }
0x11d: {  	vm6 =	vlt.s32 v2, $0x100;
	_ =	sdelay $0x5  }
0x11e: {  	[tilespmem:v2+s9+$0x0] =	vst.idx.add.s32.msk vm6, v1  }
0x11f: {  	v2 =	vld [tilespmem:$0x3B0];
	_ =	sdelay $0x4  }
0x120: {  	vm7 =	vlt.s32 v2, $0x100;
	_ =	sdelay $0x5  }
0x121: {  	[tilespmem:v2+s9+$0x0] =	vst.idx.add.s32.msk vm7, v1  }
0x122: {  	v2 =	vld [tilespmem:$0x3C0];
	_ =	sdelay $0x4  }
0x123: {  	vm8 =	vlt.s32 v2, $0x100;
	_ =	sdelay $0x5  }
0x124: {  	[tilespmem:v2+s9+$0x0] =	vst.idx.add.s32.msk vm8, v1  }
0x125: {  	v2 =	vld [tilespmem:$0x3D0];
	_ =	sdelay $0x4  }
0x126: {  	vm9 =	vlt.s32 v2, $0x100;
	_ =	sdelay $0x5  }
0x127: {  	[tilespmem:v2+s9+$0x0] =	vst.idx.add.s32.msk vm9, v1  }
0x128: {  	v2 =	vld [tilespmem:$0x3E0];
	_ =	sdelay $0x4  }
0x129: {  	vm10 =	vlt.s32 v2, $0x100;
	_ =	sdelay $0x5  }
0x12a: {  	[tilespmem:v2+s9+$0x0] =	vst.idx.add.s32.msk vm10, v1  }
0x12b: {  	v2 =	vld [tilespmem:$0x3F0];
	_ =	sdelay $0x4  }
0x12c: {  	vm11 =	vlt.s32 v2, $0x100;
	_ =	sdelay $0x5  }
0x12d: {  	[tilespmem:v2+s9+$0x0] =	vst.idx.add.s32.msk vm11, v1  }
0x12e: {  	v2 =	vld [tilespmem:$0x400];
	_ =	sdelay $0x4  }
0x12f: {  	vm12 =	vlt.s32 v2, $0x100;
	_ =	sdelay $0x5  }
0x130: {  	[tilespmem:v2+s9+$0x0] =	vst.idx.add.s32.msk vm12, v1  }
0x131: {  	v2 =	vld [tilespmem:$0x410];
	_ =	sdelay $0x4  }
0x132: {  	vm13 =	vlt.s32 v2, $0x100;
	_ =	sdelay $0x5  }
0x133: {  	[tilespmem:v2+s9+$0x0] =	vst.idx.add.s32.msk vm13, v1  }
0x134: {  	v2 =	vld [tilespmem:$0x420];
	_ =	sdelay $0x4  }
0x135: {  	vm14 =	vlt.s32 v2, $0x100;
	_ =	sdelay $0x5  }
0x136: {  	[tilespmem:v2+s9+$0x0] =	vst.idx.add.s32.msk vm14, v1  }
0x137: {  	v2 =	vld [tilespmem:$0x430];
	_ =	sdelay $0x4  }
0x138: {  	vm15 =	vlt.s32 v2, $0x100;
	_ =	sdelay $0x5  }
0x139: {  	[tilespmem:v2+s9+$0x0] =	vst.idx.add.s32.msk vm15, v1  }
0x13a: {  	v2 =	vld [tilespmem:$0x440];
	_ =	sdelay $0x4  }
0x13b: {  	vm4 =	vlt.s32 v2, $0x100;
	_ =	sdelay $0x5  }
0x13c: {  	[tilespmem:v2+s9+$0x0] =	vst.idx.add.s32.msk vm4, v1  }
0x13d: {  	v2 =	vld [tilespmem:$0x450];
	_ =	sdelay $0x4  }
0x13e: {  	vm5 =	vlt.s32 v2, $0x100;
	_ =	sdelay $0x5  }
0x13f: {  	[tilespmem:v2+s9+$0x0] =	vst.idx.add.s32.msk vm5, v1  }
0x140: {  	v2 =	vld [tilespmem:$0x460];
	_ =	sdelay $0x4  }
0x141: {  	vm6 =	vlt.s32 v2, $0x100;
	_ =	sdelay $0x5  }
0x142: {  	[tilespmem:v2+s9+$0x0] =	vst.idx.add.s32.msk vm6, v1  }
0x143: {  	v2 =	vld [tilespmem:$0x470];
	_ =	sdelay $0x4  }
0x144: {  	vm7 =	vlt.s32 v2, $0x100;
	_ =	sdelay $0x5  }
0x145: {  	[tilespmem:v2+s9+$0x0] =	vst.idx.add.s32.msk vm7, v1  }
0x146: {  	v2 =	vld [tilespmem:$0x480];
	_ =	sdelay $0x4  }
0x147: {  	vm8 =	vlt.s32 v2, $0x100;
	_ =	sdelay $0x5  }
0x148: {  	[tilespmem:v2+s9+$0x0] =	vst.idx.add.s32.msk vm8, v1  }
0x149: {  	v2 =	vld [tilespmem:$0x490];
	_ =	sdelay $0x4  }
0x14a: {  	vm9 =	vlt.s32 v2, $0x100;
	_ =	sdelay $0x5  }
0x14b: {  	[tilespmem:v2+s9+$0x0] =	vst.idx.add.s32.msk vm9, v1  }
0x14c: {  	v2 =	vld [tilespmem:$0x4A0];
	_ =	sdelay $0x4  }
0x14d: {  	vm10 =	vlt.s32 v2, $0x100;
	_ =	sdelay $0x5  }
0x14e: {  	[tilespmem:v2+s9+$0x0] =	vst.idx.add.s32.msk vm10, v1  }
0x14f: {  	v2 =	vld [tilespmem:$0x4B0];
	_ =	sdelay $0x4  }
0x150: {  	vm11 =	vlt.s32 v2, $0x100;
	_ =	sdelay $0x5  }
0x151: {  	[tilespmem:v2+s9+$0x0] =	vst.idx.add.s32.msk vm11, v1  }
0x152: {  	v2 =	vld [tilespmem:$0x4C0];
	_ =	sdelay $0x4  }
0x153: {  	vm12 =	vlt.s32 v2, $0x100;
	_ =	sdelay $0x5  }
0x154: {  	[tilespmem:v2+s9+$0x0] =	vst.idx.add.s32.msk vm12, v1  }
0x155: {  	v2 =	vld [tilespmem:$0x4D0];
	_ =	sdelay $0x4  }
0x156: {  	vm13 =	vlt.s32 v2, $0x100;
	_ =	sdelay $0x5  }
0x157: {  	[tilespmem:v2+s9+$0x0] =	vst.idx.add.s32.msk vm13, v1  }
0x158: {  	v2 =	vld [tilespmem:$0x4E0];
	_ =	sdelay $0x4  }
0x159: {  	vm14 =	vlt.s32 v2, $0x100;
	_ =	sdelay $0x5  }
0x15a: {  	[tilespmem:v2+s9+$0x0] =	vst.idx.add.s32.msk vm14, v1  }
0x15b: {  	v2 =	vld [tilespmem:$0x4F0];
	_ =	sdelay $0x4  }
0x15c: {  	vm15 =	vlt.s32 v2, $0x100;
	_ =	sdelay $0x5  }
0x15d: {  	[tilespmem:v2+s9+$0x0] =	vst.idx.add.s32.msk vm15, v1  }
0x15e: {  	v2 =	vld [tilespmem:$0x500];
	_ =	sdelay $0x4  }
0x15f: {  	vm4 =	vlt.s32 v2, $0x100;
	_ =	sdelay $0x5  }
0x160: {  	[tilespmem:v2+s9+$0x0] =	vst.idx.add.s32.msk vm4, v1  }
0x161: {  	v2 =	vld [tilespmem:$0x510];
	_ =	sdelay $0x4  }
0x162: {  	vm5 =	vlt.s32 v2, $0x100;
	_ =	sdelay $0x5  }
0x163: {  	[tilespmem:v2+s9+$0x0] =	vst.idx.add.s32.msk vm5, v1  }
0x164: {  	v2 =	vld [tilespmem:$0x520];
	_ =	sdelay $0x4  }
0x165: {  	vm6 =	vlt.s32 v2, $0x100;
	_ =	sdelay $0x5  }
0x166: {  	[tilespmem:v2+s9+$0x0] =	vst.idx.add.s32.msk vm6, v1  }
0x167: {  	v2 =	vld [tilespmem:$0x530];
	_ =	sdelay $0x4  }
0x168: {  	vm7 =	vlt.s32 v2, $0x100;
	_ =	sdelay $0x5  }
0x169: {  	[tilespmem:v2+s9+$0x0] =	vst.idx.add.s32.msk vm7, v1  }
0x16a: {  	v2 =	vld [tilespmem:$0x540];
	_ =	sdelay $0x4  }
0x16b: {  	vm8 =	vlt.s32 v2, $0x100;
	_ =	sdelay $0x5  }
0x16c: {  	[tilespmem:v2+s9+$0x0] =	vst.idx.add.s32.msk vm8, v1  }
0x16d: {  	v2 =	vld [tilespmem:$0x550];
	_ =	sdelay $0x4  }
0x16e: {  	vm9 =	vlt.s32 v2, $0x100;
	_ =	sdelay $0x5  }
0x16f: {  	[tilespmem:v2+s9+$0x0] =	vst.idx.add.s32.msk vm9, v1  }
0x170: {  	v2 =	vld [tilespmem:$0x560];
	_ =	sdelay $0x4  }
0x171: {  	vm10 =	vlt.s32 v2, $0x100;
	_ =	sdelay $0x5  }
0x172: {  	[tilespmem:v2+s9+$0x0] =	vst.idx.add.s32.msk vm10, v1  }
0x173: {  	v2 =	vld [tilespmem:$0x570];
	_ =	sdelay $0x4  }
0x174: {  	vm11 =	vlt.s32 v2, $0x100;
	_ =	sdelay $0x5  }
0x175: {  	[tilespmem:v2+s9+$0x0] =	vst.idx.add.s32.msk vm11, v1  }
0x176: {  	v2 =	vld [tilespmem:$0x580];
	_ =	sdelay $0x4  }
0x177: {  	vm12 =	vlt.s32 v2, $0x100;
	_ =	sdelay $0x5  }
0x178: {  	[tilespmem:v2+s9+$0x0] =	vst.idx.add.s32.msk vm12, v1  }
0x179: {  	v2 =	vld [tilespmem:$0x590];
	_ =	sdelay $0x4  }
0x17a: {  	vm13 =	vlt.s32 v2, $0x100;
	_ =	sdelay $0x5  }
0x17b: {  	[tilespmem:v2+s9+$0x0] =	vst.idx.add.s32.msk vm13, v1  }
0x17c: {  	v2 =	vld [tilespmem:$0x5A0];
	_ =	sdelay $0x4  }
0x17d: {  	vm14 =	vlt.s32 v2, $0x100;
	_ =	sdelay $0x5  }
0x17e: {  	[tilespmem:v2+s9+$0x0] =	vst.idx.add.s32.msk vm14, v1  }
0x17f: {  	v2 =	vld [tilespmem:$0x5B0];
	_ =	sdelay $0x4  }
0x180: {  	vm15 =	vlt.s32 v2, $0x100;
	_ =	sdelay $0x5  }
0x181: {  	[tilespmem:v2+s9+$0x0] =	vst.idx.add.s32.msk vm15, v1  }
0x182: {  	v2 =	vld [tilespmem:$0x5C0];
	_ =	sdelay $0x4  }
0x183: {  	vm4 =	vlt.s32 v2, $0x100;
	_ =	sdelay $0x5  }
0x184: {  	[tilespmem:v2+s9+$0x0] =	vst.idx.add.s32.msk vm4, v1  }
0x185: {  	v2 =	vld [tilespmem:$0x5D0];
	_ =	sdelay $0x4  }
0x186: {  	vm5 =	vlt.s32 v2, $0x100;
	_ =	sdelay $0x5  }
0x187: {  	[tilespmem:v2+s9+$0x0] =	vst.idx.add.s32.msk vm5, v1  }
0x188: {  	v2 =	vld [tilespmem:$0x5E0];
	_ =	sdelay $0x4  }
0x189: {  	vm6 =	vlt.s32 v2, $0x100;
	_ =	sdelay $0x5  }
0x18a: {  	[tilespmem:v2+s9+$0x0] =	vst.idx.add.s32.msk vm6, v1  }
0x18b: {  	v2 =	vld [tilespmem:$0x5F0];
	_ =	sdelay $0x4  }
0x18c: {  	vm7 =	vlt.s32 v2, $0x100;
	_ =	sdelay $0x5  }
0x18d: {  	[tilespmem:v2+s9+$0x0] =	vst.idx.add.s32.msk vm7, v1  }
0x18e: {  	v2 =	vld [tilespmem:$0x600];
	_ =	sdelay $0x4  }
0x18f: {  	vm8 =	vlt.s32 v2, $0x100;
	_ =	sdelay $0x5  }
0x190: {  	[tilespmem:v2+s9+$0x0] =	vst.idx.add.s32.msk vm8, v1  }
0x191: {  	v2 =	vld [tilespmem:$0x610];
	_ =	sdelay $0x4  }
0x192: {  	vm9 =	vlt.s32 v2, $0x100;
	_ =	sdelay $0x5  }
0x193: {  	[tilespmem:v2+s9+$0x0] =	vst.idx.add.s32.msk vm9, v1  }
0x194: {  	v2 =	vld [tilespmem:$0x620];
	_ =	sdelay $0x4  }
0x195: {  	vm10 =	vlt.s32 v2, $0x100;
	_ =	sdelay $0x5  }
0x196: {  	[tilespmem:v2+s9+$0x0] =	vst.idx.add.s32.msk vm10, v1  }
0x197: {  	v2 =	vld [tilespmem:$0x630];
	_ =	sdelay $0x4  }
0x198: {  	vm11 =	vlt.s32 v2, $0x100;
	_ =	sdelay $0x5  }
0x199: {  	[tilespmem:v2+s9+$0x0] =	vst.idx.add.s32.msk vm11, v1  }
0x19a: {  	v2 =	vld [tilespmem:$0x640];
	_ =	sdelay $0x4  }
0x19b: {  	vm12 =	vlt.s32 v2, $0x100;
	_ =	sdelay $0x5  }
0x19c: {  	[tilespmem:v2+s9+$0x0] =	vst.idx.add.s32.msk vm12, v1  }
0x19d: {  	v2 =	vld [tilespmem:$0x650];
	_ =	sdelay $0x4  }
0x19e: {  	vm13 =	vlt.s32 v2, $0x100;
	_ =	sdelay $0x5  }
0x19f: {  	[tilespmem:v2+s9+$0x0] =	vst.idx.add.s32.msk vm13, v1  }
0x1a0: {  	v2 =	vld [tilespmem:$0x660];
	_ =	sdelay $0x4  }
0x1a1: {  	vm14 =	vlt.s32 v2, $0x100;
	_ =	sdelay $0x5  }
0x1a2: {  	[tilespmem:v2+s9+$0x0] =	vst.idx.add.s32.msk vm14, v1  }
0x1a3: {  	v2 =	vld [tilespmem:$0x670];
	_ =	sdelay $0x4  }
0x1a4: {  	vm15 =	vlt.s32 v2, $0x100;
	_ =	sdelay $0x5  }
0x1a5: {  	[tilespmem:v2+s9+$0x0] =	vst.idx.add.s32.msk vm15, v1  }
0x1a6: {  	v2 =	vld [tilespmem:$0x680];
	_ =	sdelay $0x4  }
0x1a7: {  	vm4 =	vlt.s32 v2, $0x100;
	_ =	sdelay $0x5  }
0x1a8: {  	[tilespmem:v2+s9+$0x0] =	vst.idx.add.s32.msk vm4, v1  }
0x1a9: {  	v2 =	vld [tilespmem:$0x690];
	_ =	sdelay $0x4  }
0x1aa: {  	vm5 =	vlt.s32 v2, $0x100;
	_ =	sdelay $0x5  }
0x1ab: {  	[tilespmem:v2+s9+$0x0] =	vst.idx.add.s32.msk vm5, v1  }
0x1ac: {  	v2 =	vld [tilespmem:$0x6A0];
	_ =	sdelay $0x4  }
0x1ad: {  	vm6 =	vlt.s32 v2, $0x100;
	_ =	sdelay $0x5  }
0x1ae: {  	[tilespmem:v2+s9+$0x0] =	vst.idx.add.s32.msk vm6, v1  }
0x1af: {  	v2 =	vld [tilespmem:$0x6B0];
	_ =	sdelay $0x4  }
0x1b0: {  	vm7 =	vlt.s32 v2, $0x100;
	_ =	sdelay $0x5  }
0x1b1: {  	[tilespmem:v2+s9+$0x0] =	vst.idx.add.s32.msk vm7, v1  }
0x1b2: {  	v2 =	vld [tilespmem:$0x6C0];
	_ =	sdelay $0x4  }
0x1b3: {  	vm8 =	vlt.s32 v2, $0x100;
	_ =	sdelay $0x5  }
0x1b4: {  	[tilespmem:v2+s9+$0x0] =	vst.idx.add.s32.msk vm8, v1  }
0x1b5: {  	v2 =	vld [tilespmem:$0x6D0];
	_ =	sdelay $0x4  }
0x1b6: {  	vm9 =	vlt.s32 v2, $0x100;
	_ =	sdelay $0x5  }
0x1b7: {  	[tilespmem:v2+s9+$0x0] =	vst.idx.add.s32.msk vm9, v1  }
0x1b8: {  	v2 =	vld [tilespmem:$0x6E0];
	_ =	sdelay $0x4  }
0x1b9: {  	vm10 =	vlt.s32 v2, $0x100;
	_ =	sdelay $0x5  }
0x1ba: {  	[tilespmem:v2+s9+$0x0] =	vst.idx.add.s32.msk vm10, v1  }
0x1bb: {  	v2 =	vld [tilespmem:$0x6F0];
	_ =	sdelay $0x4  }
0x1bc: {  	vm11 =	vlt.s32 v2, $0x100;
	_ =	sdelay $0x5  }
0x1bd: {  	[tilespmem:v2+s9+$0x0] =	vst.idx.add.s32.msk vm11, v1  }
0x1be: {  	v2 =	vld [tilespmem:$0x700];
	_ =	sdelay $0x4  }
0x1bf: {  	vm12 =	vlt.s32 v2, $0x100;
	_ =	sdelay $0x5  }
0x1c0: {  	[tilespmem:v2+s9+$0x0] =	vst.idx.add.s32.msk vm12, v1  }
0x1c1: {  	v2 =	vld [tilespmem:$0x710];
	_ =	sdelay $0x4  }
0x1c2: {  	vm13 =	vlt.s32 v2, $0x100;
	_ =	sdelay $0x5  }
0x1c3: {  	[tilespmem:v2+s9+$0x0] =	vst.idx.add.s32.msk vm13, v1  }
0x1c4: {  	v2 =	vld [tilespmem:$0x720];
	_ =	sdelay $0x4  }
0x1c5: {  	vm14 =	vlt.s32 v2, $0x100;
	_ =	sdelay $0x5  }
0x1c6: {  	[tilespmem:v2+s9+$0x0] =	vst.idx.add.s32.msk vm14, v1  }
0x1c7: {  	v2 =	vld [tilespmem:$0x730];
	_ =	sdelay $0x4  }
0x1c8: {  	vm15 =	vlt.s32 v2, $0x100;
	_ =	sdelay $0x5  }
0x1c9: {  	[tilespmem:v2+s9+$0x0] =	vst.idx.add.s32.msk vm15, v1  }
0x1ca: {  	v2 =	vld [tilespmem:$0x740];
	_ =	sdelay $0x4  }
0x1cb: {  	vm4 =	vlt.s32 v2, $0x100;
	_ =	sdelay $0x5  }
0x1cc: {  	[tilespmem:v2+s9+$0x0] =	vst.idx.add.s32.msk vm4, v1  }
0x1cd: {  	v2 =	vld [tilespmem:$0x750];
	_ =	sdelay $0x4  }
0x1ce: {  	vm5 =	vlt.s32 v2, $0x100;
	_ =	sdelay $0x5  }
0x1cf: {  	[tilespmem:v2+s9+$0x0] =	vst.idx.add.s32.msk vm5, v1  }
0x1d0: {  	v2 =	vld [tilespmem:$0x760];
	_ =	sdelay $0x4  }
0x1d1: {  	vm6 =	vlt.s32 v2, $0x100;
	_ =	sdelay $0x5  }
0x1d2: {  	[tilespmem:v2+s9+$0x0] =	vst.idx.add.s32.msk vm6, v1  }
0x1d3: {  	v2 =	vld [tilespmem:$0x770];
	_ =	sdelay $0x4  }
0x1d4: {  	vm7 =	vlt.s32 v2, $0x100;
	_ =	sdelay $0x5  }
0x1d5: {  	[tilespmem:v2+s9+$0x0] =	vst.idx.add.s32.msk vm7, v1  }
0x1d6: {  	v2 =	vld [tilespmem:$0x780];
	_ =	sdelay $0x4  }
0x1d7: {  	vm8 =	vlt.s32 v2, $0x100;
	_ =	sdelay $0x5  }
0x1d8: {  	[tilespmem:v2+s9+$0x0] =	vst.idx.add.s32.msk vm8, v1  }
0x1d9: {  	v2 =	vld [tilespmem:$0x790];
	_ =	sdelay $0x4  }
0x1da: {  	vm9 =	vlt.s32 v2, $0x100;
	_ =	sdelay $0x5  }
0x1db: {  	[tilespmem:v2+s9+$0x0] =	vst.idx.add.s32.msk vm9, v1  }
0x1dc: {  	v2 =	vld [tilespmem:$0x7A0];
	_ =	sdelay $0x4  }
0x1dd: {  	vm10 =	vlt.s32 v2, $0x100;
	_ =	sdelay $0x5  }
0x1de: {  	[tilespmem:v2+s9+$0x0] =	vst.idx.add.s32.msk vm10, v1  }
0x1df: {  	v2 =	vld [tilespmem:$0x7B0];
	_ =	sdelay $0x4  }
0x1e0: {  	vm11 =	vlt.s32 v2, $0x100;
	_ =	sdelay $0x5  }
0x1e1: {  	[tilespmem:v2+s9+$0x0] =	vst.idx.add.s32.msk vm11, v1  }
0x1e2: {  	v2 =	vld [tilespmem:$0x7C0];
	_ =	sdelay $0x4  }
0x1e3: {  	vm12 =	vlt.s32 v2, $0x100;
	_ =	sdelay $0x5  }
0x1e4: {  	[tilespmem:v2+s9+$0x0] =	vst.idx.add.s32.msk vm12, v1  }
0x1e5: {  	v2 =	vld [tilespmem:$0x7D0];
	_ =	sdelay $0x4  }
0x1e6: {  	vm13 =	vlt.s32 v2, $0x100;
	_ =	sdelay $0x5  }
0x1e7: {  	[tilespmem:v2+s9+$0x0] =	vst.idx.add.s32.msk vm13, v1  }
0x1e8: {  	v2 =	vld [tilespmem:$0x7E0];
	_ =	sdelay $0x4  }
0x1e9: {  	vm14 =	vlt.s32 v2, $0x100;
	_ =	sdelay $0x5  }
0x1ea: {  	[tilespmem:v2+s9+$0x0] =	vst.idx.add.s32.msk vm14, v1  }
0x1eb: {  	v2 =	vld [tilespmem:$0x7F0];
	_ =	sdelay $0x4  }
0x1ec: {  	vm15 =	vlt.s32 v2, $0x100;
	_ =	sdelay $0x1  }
.Ltmp2:
0x1ed: {  	_ = 	snop;
	(pc) =	sbr.rel @p0 .LBB2_3-.Ltmp2, $2  }
0x1ee: {  	_ =	sdelay $0x2  }
0x1ef: {  	[tilespmem:v2+s9+$0x0] =	vst.idx.add.s32.msk vm15, v1  }
0x1f0: {  	[spmem:s4] =	stream.strided.scatter [tilespmem:s9], [sflag:$0x1], $0x100, s11, s10, $0x38;
	[tilespmem:$0xB80] =	vst v63  }
.Ltmp3:
0x1f1: {  	_ =	swait.ge [sflag:s8], $0x100;
	(pc) =	sbr.rel .LBB2_4-.Ltmp3, $3  }
0x1f2: {  	[sflag:s8] =	ssyncset.done $0x0  }
0x1f3: {  	[sflag:s8] =	ssyncadd.s32 $0xFFFFFF00  }
0x1f4: {  	[bflag:$0x0] =	sbarrier.arrive $0xFFFF;
	_ =	sdelay $0x1  }
.LBB2_5:
0x1f5: {  	_ =	sfence.sel $0x180000  }
0x1f6: {  	[bflag:$0x0] =	sbarrier.arrive $0xFFFF  }
0x1f7: {  	p0 =	sne.s32 s1, $0x0;
	_ =	strace $0x90000047  }
0x1f8: {  	s0 =	sadd.s32 @!p0 $0x100000, s0;
	[bflag:$0x2] =	sbarrier.arrive $0xFFFF  }
0x1f9: {  	[sflag:s0] =	ssyncadd.tile.s32 @!p0 $0x1;
	_ =	shalt  }
.Lfunc_end2:
_tile_overlayer_lowered:
.L_overlay_start_2:
0x1fa: {  	(tag) =	ssettag $0x2  }
0x1fb: {  	s0 =	rddreg [dreg:$0x0];
	s2 =	stileid.u32  }
0x1fc: {  	s1 =	rddreg [dreg:$0x1];
	p0 =	sne.s32 s2, $0x0  }
0x1fd: {  	s3 =	rddreg [dreg:$0x2];
	[bflag:$0x3] =	sbarrier.arrive $0xFFFF;
	s2 =	simm.s32 @!p0 $0x1C01  }
0x1fe: {  	[timem:s3], [sflag:s2] =	dma.local @!p0 [hbm:s0], s1  }
0x1ff: {  	s0 =	simm.s32 @!p0 $0x1  }
0x200: {  	_ =	swait.ge @!p0 [sflag:s0], s1  }
0x201: {  	s1 =	ssub.s32 @!p0 $0x0, s1;
	[sflag:s0] =	ssyncset.done @!p0 $0x0  }
0x202: {  	[sflag:s0] =	ssyncadd.s32 @!p0 s1  }
0x203: {  	[bflag:$0x3] =	sbarrier.arrive $0xFFFF  }
0x204: {  	_ =	shalt  }

</sc_bundles>
